<compile_context>
chip_gen: v7x
topology: tpu7x:2x2x1
jax: 0.10.2.dev20260603
libtpu: 0.0.44.dev20260713+nightly
codegen_flags: <defaults>
</compile_context>

<pallas_src>
import functools

import jax
import jax.numpy as jnp
from jax import lax
from jax.experimental import pallas as pl
from jax.experimental.pallas import tpu as pltpu
from jax.experimental.pallas import tpu_sc as plsc

CLS_ID = 1
B, S, D = 4, 8192, 2048
NS, L = 16, 16
TILES_PER_ROW = NS // B
CHUNK = S // TILES_PER_ROW
UNROLL = 16
ITERS = CHUNK // (L * UNROLL)


def _sc_pooler(table, ids):
    mesh = plsc.VectorSubcoreMesh(core_axis_name="c", subcore_axis_name="s",
                                  num_cores=1)

    @functools.partial(
        pl.kernel,
        out_type=jax.ShapeDtypeStruct((B, D), jnp.float32),
        mesh=mesh,
        scratch_types=[
            pltpu.VMEM_SHARED((NS, L), jnp.int32),
            pltpu.VMEM((CHUNK,), jnp.int32),
            pltpu.VMEM((L,), jnp.int32),
            pltpu.VMEM((TILES_PER_ROW, L), jnp.int32),
            pltpu.VMEM((L,), jnp.int32),
            pltpu.VMEM((1, D), jnp.float32),
            pltpu.SemaphoreType.DMA,
        ],
    )
    def body(table_hbm, ids_hbm, out_hbm,
             shared, ids_v, acc_v, mine_v, idx_v, row_v, sem):
        sid = lax.axis_index("s")
        row = sid // TILES_PER_ROW
        chunk = sid % TILES_PER_ROW
        base = row * S + chunk * CHUNK
        pltpu.sync_copy(ids_hbm.at[pl.ds(base, CHUNK)], ids_v)

        lanes = lax.broadcasted_iota(jnp.int32, (L,), 0)
        pos0 = lanes + chunk * CHUNK
        neg = jnp.full((L,), -1, jnp.int32)

        def step(i, acc):
            for j in range(UNROLL):
                v = ids_v[pl.ds((i * UNROLL + j) * L, L)]
                pos = pos0 + (i * UNROLL + j) * L
                acc = jnp.maximum(acc, jnp.where(v == CLS_ID, pos, neg))
            return acc

        acc = lax.fori_loop(0, ITERS, step, neg)
        for sh in (1, 2, 4, 8):
            acc = jnp.maximum(acc, acc.at[lanes ^ sh].get(
                mode="promise_in_bounds"))
        acc_v[...] = acc
        pltpu.sync_copy(acc_v, shared.at[sid])
        plsc.subcore_barrier()

        @pl.when(sid < B)
        def _reduce_and_gather():
            pltpu.sync_copy(shared.at[pl.ds(sid * TILES_PER_ROW,
                                            TILES_PER_ROW)], mine_v)
            m = mine_v[0]
            for t in range(1, TILES_PER_ROW):
                m = jnp.maximum(m, mine_v[t])
            m = jnp.where(m < 0, m + S, m)
            idx_v[...] = sid * S + m
            pltpu.async_copy(table_hbm.at[idx_v.at[pl.ds(0, 1)]],
                             row_v, sem).wait()
            pltpu.sync_copy(row_v, out_hbm.at[pl.ds(sid, 1)])

    return body(table, ids)


def kernel(layer_states, input_ids, return_final):
    del return_final
    ids = input_ids.astype(jnp.int32).reshape(-1)
    table = layer_states.reshape(B * S, D)
    return _sc_pooler(table, ids)

# --- scband reference (transcript-rebuilt; emitter-appended) ---
"""Pipeline reference for scband-lswttoken-pooler-cls-12773232738465 (READ-ONLY COPY).

The authoritative reference and input builder live on the scoring server;
editing this copy changes nothing except your own understanding.
"""

import jax, jax.numpy as jnp
import numpy as np

CLS_TOKEN_ID = 1

def setup_inputs(seed: int = 0) -> dict:
    key = jax.random.key(seed)
    k1, k2 = jax.random.split(key)
    layer_states = jax.random.normal(k1, (4, 8192, 2048), dtype=jnp.float32)
    input_ids = jax.random.randint(k2, (4, 8192), 0, 100, dtype=jnp.int64)
    return {"layer_states": layer_states, "input_ids": input_ids, "return_final": True}

def reference(layer_states, input_ids, return_final):
    batch_ids = jnp.arange(input_ids.shape[0])
    seq_ids = jnp.arange(input_ids.shape[1])
    # position of the LAST occurrence of the CLS token per row (-1 if absent)
    end_idx = jnp.max(jnp.where(input_ids == CLS_TOKEN_ID, seq_ids, -1), axis=-1)
    # advanced-index gather: one hidden-state row per batch element
    pooled = layer_states[batch_ids, end_idx]
    return jnp.where(return_final, pooled, pooled)

if __name__ == "__main__":
    import jax
    _d = setup_inputs()
    print(jax.jit(kernel)(*tuple(_d.values())))

</pallas_src>

<mosaic_0001>
#map = affine_map<(d0, d1) -> (0, 0)>
#map1 = affine_map<(d0, d1) -> (0)>
module attributes {stable_mosaic.version = 14 : i64} {
  func.func @body(%arg0: i32, %arg1: i32, %arg2: memref<32768x2048xf32, #tpu.memory_space<hbm>>, %arg3: memref<32768xi32, #tpu.memory_space<hbm>>, %arg4: memref<4x2048xf32, #tpu.memory_space<hbm>>, %arg5: memref<16x16xi32, #tpu.memory_space<vmem_shared>>, %arg6: memref<2048xi32, #tpu.memory_space<vmem>>, %arg7: memref<16xi32, #tpu.memory_space<vmem>>, %arg8: memref<4x16xi32, #tpu.memory_space<vmem>>, %arg9: memref<16xi32, #tpu.memory_space<vmem>>, %arg10: memref<1x2048xf32, #tpu.memory_space<vmem>>, %arg11: memref<!tpu.dma_semaphore, #tpu.memory_space<semaphore_mem>>) attributes {dimension_semantics = [#tpu.dimension_semantics<core_parallel>, #tpu.dimension_semantics<subcore_parallel>], iteration_bounds = array<i64: 1, 16>, scalar_prefetch = 0 : i64, scratch_operands = 7 : i64, tpu.core_type = #tpu.core_type<sc_vector_subcore>, window_params = [{transform_indices = #map}, {transform_indices = #map1}, {transform_indices = #map}]} {
    %jit3A = arith.constant 4 : i32
    %div3A = arith.divsi %arg1, %jit3A : i32
    %sign3A = arith.constant 0 : i32
    %sign3A_0 = arith.cmpi sgt, %arg1, %sign3A : i32
    %sign3A_1 = arith.extui %sign3A_0 : i1 to i32
    %sign3A_2 = arith.constant 0 : i32
    %sign3A_3 = arith.cmpi slt, %arg1, %sign3A_2 : i32
    %sign3A_4 = arith.extui %sign3A_3 : i1 to i32
    %sign3A_5 = arith.subi %sign3A_1, %sign3A_4 : i32
    %sign3A_6 = arith.constant 0 : i32
    %sign3A_7 = arith.cmpi sgt, %jit3A, %sign3A_6 : i32
    %sign3A_8 = arith.extui %sign3A_7 : i1 to i32
    %sign3A_9 = arith.constant 0 : i32
    %sign3A_10 = arith.cmpi slt, %jit3A, %sign3A_9 : i32
    %sign3A_11 = arith.extui %sign3A_10 : i1 to i32
    %sign3A_12 = arith.subi %sign3A_8, %sign3A_11 : i32
    %ne3A = arith.cmpi ne, %sign3A_5, %sign3A_12 : i32
    %rem3A = arith.remsi %arg1, %jit3A : i32
    %ne3A_13 = arith.constant 0 : i32
    %ne3A_14 = arith.cmpi ne, %rem3A, %ne3A_13 : i32
    %and3A = arith.andi %ne3A, %ne3A_14 : i1
    %sub3A = arith.constant 1 : i32
    %sub3A_15 = arith.subi %div3A, %sub3A : i32
    %select_n3A = arith.select %and3A, %sub3A_15, %div3A : i32
    %jit3A_16 = arith.constant 4 : i32
    %eq3A = arith.constant 0 : i32
    %eq3A_17 = arith.cmpi eq, %jit3A_16, %eq3A : i32
    %jit3A_18 = arith.constant 1 : i32
    %select_n3A_19 = arith.select %eq3A_17, %jit3A_18, %jit3A_16 : i32
    %rem3A_20 = arith.remsi %arg1, %select_n3A_19 : i32
    %ne3A_21 = arith.constant 0 : i32
    %ne3A_22 = arith.cmpi ne, %rem3A_20, %ne3A_21 : i32
    %lt3A = arith.constant 0 : i32
    %lt3A_23 = arith.cmpi slt, %rem3A_20, %lt3A : i32
    %lt3A_24 = arith.constant 0 : i32
    %lt3A_25 = arith.cmpi slt, %select_n3A_19, %lt3A_24 : i32
    %ne3A_26 = arith.xori %lt3A_23, %lt3A_25 : i1
    %and3A_27 = arith.andi %ne3A_26, %ne3A_22 : i1
    %add3A = arith.addi %rem3A_20, %select_n3A_19 : i32
    %select_n3A_28 = arith.select %and3A_27, %add3A, %rem3A_20 : i32
    %mul3A = arith.constant 8192 : i32
    %mul3A_29 = arith.muli %select_n3A, %mul3A : i32
    %mul3A_30 = arith.constant 2048 : i32
    %mul3A_31 = arith.muli %select_n3A_28, %mul3A_30 : i32
    %add3A_32 = arith.addi %mul3A_29, %mul3A_31 : i32
    "tpu.region"() ({
      %run_scoped3A = tpu.sem_alloc : memref<!tpu.dma_semaphore, #tpu.memory_space<semaphore_mem>>
      %dma_start3A = tpu.memref_slice %arg3[%add3A_32] : memref<32768xi32, #tpu.memory_space<hbm>> -> memref<2048xi32, #tpu.memory_space<hbm>>
      %dma_start3A_102 = tpu.memref_slice %arg3[%add3A_32] : memref<32768xi32, #tpu.memory_space<hbm>> -> memref<2048xi32, #tpu.memory_space<hbm>>
      tpu.enqueue_dma source(%dma_start3A_102 : memref<2048xi32, #tpu.memory_space<hbm>>) target(%arg6 : memref<2048xi32, #tpu.memory_space<vmem>>) target_semaphore(%run_scoped3A : memref<!tpu.dma_semaphore, #tpu.memory_space<semaphore_mem>>)
      %dma_wait3A = tpu.memref_slice %arg3[%add3A_32] : memref<32768xi32, #tpu.memory_space<hbm>> -> memref<2048xi32, #tpu.memory_space<hbm>>
      %dma_wait3A_103 = tpu.memref_slice %arg3[%add3A_32] : memref<32768xi32, #tpu.memory_space<hbm>> -> memref<2048xi32, #tpu.memory_space<hbm>>
      tpu.wait_dma2 semaphore(%run_scoped3A : memref<!tpu.dma_semaphore, #tpu.memory_space<semaphore_mem>>) src(%dma_wait3A_103 : memref<2048xi32, #tpu.memory_space<hbm>>) dst(%arg6 : memref<2048xi32, #tpu.memory_space<vmem>>)
      tpu.yield
    }) : () -> ()
    %iota3A = tpu.iota {dimensions = array<i32: 0>} : vector<16xi32>
    %mul3A_33 = arith.constant 2048 : i32
    %mul3A_34 = arith.muli %select_n3A_28, %mul3A_33 : i32
    %add3A_35 = vector.broadcast %mul3A_34 : i32 to vector<16xi32>
    %add3A_36 = arith.addi %iota3A, %add3A_35 : vector<16xi32>
    %broadcast_in_dim3A = arith.constant -1 : i32
    %broadcast_in_dim3A_37 = vector.broadcast %broadcast_in_dim3A : i32 to vector<16xi32>
    %scan3A = arith.constant 0 : i32
    %scan3A_38 = arith.constant 8 : i32
    %scan3A_39 = arith.addi %scan3A, %scan3A_38 : i32
    %scan3A_40 = arith.constant 1 : i32
    %scan3A_41 = scf.for %scan3A_102 = %scan3A to %scan3A_39 step %scan3A_40 iter_args(%scan3A_103 = %broadcast_in_dim3A_37) -> (vector<16xi32>)  : i32 {
      %mul3A_104 = arith.constant 16 : i32
      %mul3A_105 = arith.muli %scan3A_102, %mul3A_104 : i32
      %add3A_106 = arith.constant 0 : i32
      %add3A_107 = arith.addi %mul3A_105, %add3A_106 : i32
      %mul3A_108 = arith.constant 16 : i32
      %mul3A_109 = arith.muli %add3A_107, %mul3A_108 : i32
      %get3A = arith.index_cast %mul3A_109 : i32 to index
      %get3A_110 = tpu.vector_load %arg6[%get3A] {strides = array<i32>} : memref<2048xi32, #tpu.memory_space<vmem>>, vector<16xi32>,
      %get3A_111 = vector.shape_cast %get3A_110 : vector<16xi32> to vector<16xi32>
      %mul3A_112 = arith.constant 16 : i32
      %mul3A_113 = arith.muli %scan3A_102, %mul3A_112 : i32
      %add3A_114 = arith.constant 0 : i32
      %add3A_115 = arith.addi %mul3A_113, %add3A_114 : i32
      %mul3A_116 = arith.constant 16 : i32
      %mul3A_117 = arith.muli %add3A_115, %mul3A_116 : i32
      %add3A_118 = vector.broadcast %mul3A_117 : i32 to vector<16xi32>
      %add3A_119 = arith.addi %add3A_36, %add3A_118 : vector<16xi32>
      %eq3A_120 = arith.constant 1 : i32
      %eq3A_121 = vector.broadcast %eq3A_120 : i32 to vector<16xi32>
      %eq3A_122 = arith.cmpi eq, %get3A_111, %eq3A_121 : vector<16xi32>
      %select_n3A_123 = arith.select %eq3A_122, %add3A_119, %broadcast_in_dim3A_37 : vector<16xi1>, vector<16xi32>
      %max3A_124 = arith.maxsi %scan3A_103, %select_n3A_123 : vector<16xi32>
      %mul3A_125 = arith.constant 16 : i32
      %mul3A_126 = arith.muli %scan3A_102, %mul3A_125 : i32
      %add3A_127 = arith.constant 1 : i32
      %add3A_128 = arith.addi %mul3A_126, %add3A_127 : i32
      %mul3A_129 = arith.constant 16 : i32
      %mul3A_130 = arith.muli %add3A_128, %mul3A_129 : i32
      %get3A_131 = arith.index_cast %mul3A_130 : i32 to index
      %get3A_132 = tpu.vector_load %arg6[%get3A_131] {strides = array<i32>} : memref<2048xi32, #tpu.memory_space<vmem>>, vector<16xi32>,
      %get3A_133 = vector.shape_cast %get3A_132 : vector<16xi32> to vector<16xi32>
      %mul3A_134 = arith.constant 16 : i32
      %mul3A_135 = arith.muli %scan3A_102, %mul3A_134 : i32
      %add3A_136 = arith.constant 1 : i32
      %add3A_137 = arith.addi %mul3A_135, %add3A_136 : i32
      %mul3A_138 = arith.constant 16 : i32
      %mul3A_139 = arith.muli %add3A_137, %mul3A_138 : i32
      %add3A_140 = vector.broadcast %mul3A_139 : i32 to vector<16xi32>
      %add3A_141 = arith.addi %add3A_36, %add3A_140 : vector<16xi32>
      %eq3A_142 = arith.constant 1 : i32
      %eq3A_143 = vector.broadcast %eq3A_142 : i32 to vector<16xi32>
      %eq3A_144 = arith.cmpi eq, %get3A_133, %eq3A_143 : vector<16xi32>
      %select_n3A_145 = arith.select %eq3A_144, %add3A_141, %broadcast_in_dim3A_37 : vector<16xi1>, vector<16xi32>
      %max3A_146 = arith.maxsi %max3A_124, %select_n3A_145 : vector<16xi32>
      %mul3A_147 = arith.constant 16 : i32
      %mul3A_148 = arith.muli %scan3A_102, %mul3A_147 : i32
      %add3A_149 = arith.constant 2 : i32
      %add3A_150 = arith.addi %mul3A_148, %add3A_149 : i32
      %mul3A_151 = arith.constant 16 : i32
      %mul3A_152 = arith.muli %add3A_150, %mul3A_151 : i32
      %get3A_153 = arith.index_cast %mul3A_152 : i32 to index
      %get3A_154 = tpu.vector_load %arg6[%get3A_153] {strides = array<i32>} : memref<2048xi32, #tpu.memory_space<vmem>>, vector<16xi32>,
      %get3A_155 = vector.shape_cast %get3A_154 : vector<16xi32> to vector<16xi32>
      %mul3A_156 = arith.constant 16 : i32
      %mul3A_157 = arith.muli %scan3A_102, %mul3A_156 : i32
      %add3A_158 = arith.constant 2 : i32
      %add3A_159 = arith.addi %mul3A_157, %add3A_158 : i32
      %mul3A_160 = arith.constant 16 : i32
      %mul3A_161 = arith.muli %add3A_159, %mul3A_160 : i32
      %add3A_162 = vector.broadcast %mul3A_161 : i32 to vector<16xi32>
      %add3A_163 = arith.addi %add3A_36, %add3A_162 : vector<16xi32>
      %eq3A_164 = arith.constant 1 : i32
      %eq3A_165 = vector.broadcast %eq3A_164 : i32 to vector<16xi32>
      %eq3A_166 = arith.cmpi eq, %get3A_155, %eq3A_165 : vector<16xi32>
      %select_n3A_167 = arith.select %eq3A_166, %add3A_163, %broadcast_in_dim3A_37 : vector<16xi1>, vector<16xi32>
      %max3A_168 = arith.maxsi %max3A_146, %select_n3A_167 : vector<16xi32>
      %mul3A_169 = arith.constant 16 : i32
      %mul3A_170 = arith.muli %scan3A_102, %mul3A_169 : i32
      %add3A_171 = arith.constant 3 : i32
      %add3A_172 = arith.addi %mul3A_170, %add3A_171 : i32
      %mul3A_173 = arith.constant 16 : i32
      %mul3A_174 = arith.muli %add3A_172, %mul3A_173 : i32
      %get3A_175 = arith.index_cast %mul3A_174 : i32 to index
      %get3A_176 = tpu.vector_load %arg6[%get3A_175] {strides = array<i32>} : memref<2048xi32, #tpu.memory_space<vmem>>, vector<16xi32>,
      %get3A_177 = vector.shape_cast %get3A_176 : vector<16xi32> to vector<16xi32>
      %mul3A_178 = arith.constant 16 : i32
      %mul3A_179 = arith.muli %scan3A_102, %mul3A_178 : i32
      %add3A_180 = arith.constant 3 : i32
      %add3A_181 = arith.addi %mul3A_179, %add3A_180 : i32
      %mul3A_182 = arith.constant 16 : i32
      %mul3A_183 = arith.muli %add3A_181, %mul3A_182 : i32
      %add3A_184 = vector.broadcast %mul3A_183 : i32 to vector<16xi32>
      %add3A_185 = arith.addi %add3A_36, %add3A_184 : vector<16xi32>
      %eq3A_186 = arith.constant 1 : i32
      %eq3A_187 = vector.broadcast %eq3A_186 : i32 to vector<16xi32>
      %eq3A_188 = arith.cmpi eq, %get3A_177, %eq3A_187 : vector<16xi32>
      %select_n3A_189 = arith.select %eq3A_188, %add3A_185, %broadcast_in_dim3A_37 : vector<16xi1>, vector<16xi32>
      %max3A_190 = arith.maxsi %max3A_168, %select_n3A_189 : vector<16xi32>
      %mul3A_191 = arith.constant 16 : i32
      %mul3A_192 = arith.muli %scan3A_102, %mul3A_191 : i32
      %add3A_193 = arith.constant 4 : i32
      %add3A_194 = arith.addi %mul3A_192, %add3A_193 : i32
      %mul3A_195 = arith.constant 16 : i32
      %mul3A_196 = arith.muli %add3A_194, %mul3A_195 : i32
      %get3A_197 = arith.index_cast %mul3A_196 : i32 to index
      %get3A_198 = tpu.vector_load %arg6[%get3A_197] {strides = array<i32>} : memref<2048xi32, #tpu.memory_space<vmem>>, vector<16xi32>,
      %get3A_199 = vector.shape_cast %get3A_198 : vector<16xi32> to vector<16xi32>
      %mul3A_200 = arith.constant 16 : i32
      %mul3A_201 = arith.muli %scan3A_102, %mul3A_200 : i32
      %add3A_202 = arith.constant 4 : i32
      %add3A_203 = arith.addi %mul3A_201, %add3A_202 : i32
      %mul3A_204 = arith.constant 16 : i32
      %mul3A_205 = arith.muli %add3A_203, %mul3A_204 : i32
      %add3A_206 = vector.broadcast %mul3A_205 : i32 to vector<16xi32>
      %add3A_207 = arith.addi %add3A_36, %add3A_206 : vector<16xi32>
      %eq3A_208 = arith.constant 1 : i32
      %eq3A_209 = vector.broadcast %eq3A_208 : i32 to vector<16xi32>
      %eq3A_210 = arith.cmpi eq, %get3A_199, %eq3A_209 : vector<16xi32>
      %select_n3A_211 = arith.select %eq3A_210, %add3A_207, %broadcast_in_dim3A_37 : vector<16xi1>, vector<16xi32>
      %max3A_212 = arith.maxsi %max3A_190, %select_n3A_211 : vector<16xi32>
      %mul3A_213 = arith.constant 16 : i32
      %mul3A_214 = arith.muli %scan3A_102, %mul3A_213 : i32
      %add3A_215 = arith.constant 5 : i32
      %add3A_216 = arith.addi %mul3A_214, %add3A_215 : i32
      %mul3A_217 = arith.constant 16 : i32
      %mul3A_218 = arith.muli %add3A_216, %mul3A_217 : i32
      %get3A_219 = arith.index_cast %mul3A_218 : i32 to index
      %get3A_220 = tpu.vector_load %arg6[%get3A_219] {strides = array<i32>} : memref<2048xi32, #tpu.memory_space<vmem>>, vector<16xi32>,
      %get3A_221 = vector.shape_cast %get3A_220 : vector<16xi32> to vector<16xi32>
      %mul3A_222 = arith.constant 16 : i32
      %mul3A_223 = arith.muli %scan3A_102, %mul3A_222 : i32
      %add3A_224 = arith.constant 5 : i32
      %add3A_225 = arith.addi %mul3A_223, %add3A_224 : i32
      %mul3A_226 = arith.constant 16 : i32
      %mul3A_227 = arith.muli %add3A_225, %mul3A_226 : i32
      %add3A_228 = vector.broadcast %mul3A_227 : i32 to vector<16xi32>
      %add3A_229 = arith.addi %add3A_36, %add3A_228 : vector<16xi32>
      %eq3A_230 = arith.constant 1 : i32
      %eq3A_231 = vector.broadcast %eq3A_230 : i32 to vector<16xi32>
      %eq3A_232 = arith.cmpi eq, %get3A_221, %eq3A_231 : vector<16xi32>
      %select_n3A_233 = arith.select %eq3A_232, %add3A_229, %broadcast_in_dim3A_37 : vector<16xi1>, vector<16xi32>
      %max3A_234 = arith.maxsi %max3A_212, %select_n3A_233 : vector<16xi32>
      %mul3A_235 = arith.constant 16 : i32
      %mul3A_236 = arith.muli %scan3A_102, %mul3A_235 : i32
      %add3A_237 = arith.constant 6 : i32
      %add3A_238 = arith.addi %mul3A_236, %add3A_237 : i32
      %mul3A_239 = arith.constant 16 : i32
      %mul3A_240 = arith.muli %add3A_238, %mul3A_239 : i32
      %get3A_241 = arith.index_cast %mul3A_240 : i32 to index
      %get3A_242 = tpu.vector_load %arg6[%get3A_241] {strides = array<i32>} : memref<2048xi32, #tpu.memory_space<vmem>>, vector<16xi32>,
      %get3A_243 = vector.shape_cast %get3A_242 : vector<16xi32> to vector<16xi32>
      %mul3A_244 = arith.constant 16 : i32
      %mul3A_245 = arith.muli %scan3A_102, %mul3A_244 : i32
      %add3A_246 = arith.constant 6 : i32
      %add3A_247 = arith.addi %mul3A_245, %add3A_246 : i32
      %mul3A_248 = arith.constant 16 : i32
      %mul3A_249 = arith.muli %add3A_247, %mul3A_248 : i32
      %add3A_250 = vector.broadcast %mul3A_249 : i32 to vector<16xi32>
      %add3A_251 = arith.addi %add3A_36, %add3A_250 : vector<16xi32>
      %eq3A_252 = arith.constant 1 : i32
      %eq3A_253 = vector.broadcast %eq3A_252 : i32 to vector<16xi32>
      %eq3A_254 = arith.cmpi eq, %get3A_243, %eq3A_253 : vector<16xi32>
      %select_n3A_255 = arith.select %eq3A_254, %add3A_251, %broadcast_in_dim3A_37 : vector<16xi1>, vector<16xi32>
      %max3A_256 = arith.maxsi %max3A_234, %select_n3A_255 : vector<16xi32>
      %mul3A_257 = arith.constant 16 : i32
      %mul3A_258 = arith.muli %scan3A_102, %mul3A_257 : i32
      %add3A_259 = arith.constant 7 : i32
      %add3A_260 = arith.addi %mul3A_258, %add3A_259 : i32
      %mul3A_261 = arith.constant 16 : i32
      %mul3A_262 = arith.muli %add3A_260, %mul3A_261 : i32
      %get3A_263 = arith.index_cast %mul3A_262 : i32 to index
      %get3A_264 = tpu.vector_load %arg6[%get3A_263] {strides = array<i32>} : memref<2048xi32, #tpu.memory_space<vmem>>, vector<16xi32>,
      %get3A_265 = vector.shape_cast %get3A_264 : vector<16xi32> to vector<16xi32>
      %mul3A_266 = arith.constant 16 : i32
      %mul3A_267 = arith.muli %scan3A_102, %mul3A_266 : i32
      %add3A_268 = arith.constant 7 : i32
      %add3A_269 = arith.addi %mul3A_267, %add3A_268 : i32
      %mul3A_270 = arith.constant 16 : i32
      %mul3A_271 = arith.muli %add3A_269, %mul3A_270 : i32
      %add3A_272 = vector.broadcast %mul3A_271 : i32 to vector<16xi32>
      %add3A_273 = arith.addi %add3A_36, %add3A_272 : vector<16xi32>
      %eq3A_274 = arith.constant 1 : i32
      %eq3A_275 = vector.broadcast %eq3A_274 : i32 to vector<16xi32>
      %eq3A_276 = arith.cmpi eq, %get3A_265, %eq3A_275 : vector<16xi32>
      %select_n3A_277 = arith.select %eq3A_276, %add3A_273, %broadcast_in_dim3A_37 : vector<16xi1>, vector<16xi32>
      %max3A_278 = arith.maxsi %max3A_256, %select_n3A_277 : vector<16xi32>
      %mul3A_279 = arith.constant 16 : i32
      %mul3A_280 = arith.muli %scan3A_102, %mul3A_279 : i32
      %add3A_281 = arith.constant 8 : i32
      %add3A_282 = arith.addi %mul3A_280, %add3A_281 : i32
      %mul3A_283 = arith.constant 16 : i32
      %mul3A_284 = arith.muli %add3A_282, %mul3A_283 : i32
      %get3A_285 = arith.index_cast %mul3A_284 : i32 to index
      %get3A_286 = tpu.vector_load %arg6[%get3A_285] {strides = array<i32>} : memref<2048xi32, #tpu.memory_space<vmem>>, vector<16xi32>,
      %get3A_287 = vector.shape_cast %get3A_286 : vector<16xi32> to vector<16xi32>
      %mul3A_288 = arith.constant 16 : i32
      %mul3A_289 = arith.muli %scan3A_102, %mul3A_288 : i32
      %add3A_290 = arith.constant 8 : i32
      %add3A_291 = arith.addi %mul3A_289, %add3A_290 : i32
      %mul3A_292 = arith.constant 16 : i32
      %mul3A_293 = arith.muli %add3A_291, %mul3A_292 : i32
      %add3A_294 = vector.broadcast %mul3A_293 : i32 to vector<16xi32>
      %add3A_295 = arith.addi %add3A_36, %add3A_294 : vector<16xi32>
      %eq3A_296 = arith.constant 1 : i32
      %eq3A_297 = vector.broadcast %eq3A_296 : i32 to vector<16xi32>
      %eq3A_298 = arith.cmpi eq, %get3A_287, %eq3A_297 : vector<16xi32>
      %select_n3A_299 = arith.select %eq3A_298, %add3A_295, %broadcast_in_dim3A_37 : vector<16xi1>, vector<16xi32>
      %max3A_300 = arith.maxsi %max3A_278, %select_n3A_299 : vector<16xi32>
      %mul3A_301 = arith.constant 16 : i32
      %mul3A_302 = arith.muli %scan3A_102, %mul3A_301 : i32
      %add3A_303 = arith.constant 9 : i32
      %add3A_304 = arith.addi %mul3A_302, %add3A_303 : i32
      %mul3A_305 = arith.constant 16 : i32
      %mul3A_306 = arith.muli %add3A_304, %mul3A_305 : i32
      %get3A_307 = arith.index_cast %mul3A_306 : i32 to index
      %get3A_308 = tpu.vector_load %arg6[%get3A_307] {strides = array<i32>} : memref<2048xi32, #tpu.memory_space<vmem>>, vector<16xi32>,
      %get3A_309 = vector.shape_cast %get3A_308 : vector<16xi32> to vector<16xi32>
      %mul3A_310 = arith.constant 16 : i32
      %mul3A_311 = arith.muli %scan3A_102, %mul3A_310 : i32
      %add3A_312 = arith.constant 9 : i32
      %add3A_313 = arith.addi %mul3A_311, %add3A_312 : i32
      %mul3A_314 = arith.constant 16 : i32
      %mul3A_315 = arith.muli %add3A_313, %mul3A_314 : i32
      %add3A_316 = vector.broadcast %mul3A_315 : i32 to vector<16xi32>
      %add3A_317 = arith.addi %add3A_36, %add3A_316 : vector<16xi32>
      %eq3A_318 = arith.constant 1 : i32
      %eq3A_319 = vector.broadcast %eq3A_318 : i32 to vector<16xi32>
      %eq3A_320 = arith.cmpi eq, %get3A_309, %eq3A_319 : vector<16xi32>
      %select_n3A_321 = arith.select %eq3A_320, %add3A_317, %broadcast_in_dim3A_37 : vector<16xi1>, vector<16xi32>
      %max3A_322 = arith.maxsi %max3A_300, %select_n3A_321 : vector<16xi32>
      %mul3A_323 = arith.constant 16 : i32
      %mul3A_324 = arith.muli %scan3A_102, %mul3A_323 : i32
      %add3A_325 = arith.constant 10 : i32
      %add3A_326 = arith.addi %mul3A_324, %add3A_325 : i32
      %mul3A_327 = arith.constant 16 : i32
      %mul3A_328 = arith.muli %add3A_326, %mul3A_327 : i32
      %get3A_329 = arith.index_cast %mul3A_328 : i32 to index
      %get3A_330 = tpu.vector_load %arg6[%get3A_329] {strides = array<i32>} : memref<2048xi32, #tpu.memory_space<vmem>>, vector<16xi32>,
      %get3A_331 = vector.shape_cast %get3A_330 : vector<16xi32> to vector<16xi32>
      %mul3A_332 = arith.constant 16 : i32
      %mul3A_333 = arith.muli %scan3A_102, %mul3A_332 : i32
      %add3A_334 = arith.constant 10 : i32
      %add3A_335 = arith.addi %mul3A_333, %add3A_334 : i32
      %mul3A_336 = arith.constant 16 : i32
      %mul3A_337 = arith.muli %add3A_335, %mul3A_336 : i32
      %add3A_338 = vector.broadcast %mul3A_337 : i32 to vector<16xi32>
      %add3A_339 = arith.addi %add3A_36, %add3A_338 : vector<16xi32>
      %eq3A_340 = arith.constant 1 : i32
      %eq3A_341 = vector.broadcast %eq3A_340 : i32 to vector<16xi32>
      %eq3A_342 = arith.cmpi eq, %get3A_331, %eq3A_341 : vector<16xi32>
      %select_n3A_343 = arith.select %eq3A_342, %add3A_339, %broadcast_in_dim3A_37 : vector<16xi1>, vector<16xi32>
      %max3A_344 = arith.maxsi %max3A_322, %select_n3A_343 : vector<16xi32>
      %mul3A_345 = arith.constant 16 : i32
      %mul3A_346 = arith.muli %scan3A_102, %mul3A_345 : i32
      %add3A_347 = arith.constant 11 : i32
      %add3A_348 = arith.addi %mul3A_346, %add3A_347 : i32
      %mul3A_349 = arith.constant 16 : i32
      %mul3A_350 = arith.muli %add3A_348, %mul3A_349 : i32
      %get3A_351 = arith.index_cast %mul3A_350 : i32 to index
      %get3A_352 = tpu.vector_load %arg6[%get3A_351] {strides = array<i32>} : memref<2048xi32, #tpu.memory_space<vmem>>, vector<16xi32>,
      %get3A_353 = vector.shape_cast %get3A_352 : vector<16xi32> to vector<16xi32>
      %mul3A_354 = arith.constant 16 : i32
      %mul3A_355 = arith.muli %scan3A_102, %mul3A_354 : i32
      %add3A_356 = arith.constant 11 : i32
      %add3A_357 = arith.addi %mul3A_355, %add3A_356 : i32
      %mul3A_358 = arith.constant 16 : i32
      %mul3A_359 = arith.muli %add3A_357, %mul3A_358 : i32
      %add3A_360 = vector.broadcast %mul3A_359 : i32 to vector<16xi32>
      %add3A_361 = arith.addi %add3A_36, %add3A_360 : vector<16xi32>
      %eq3A_362 = arith.constant 1 : i32
      %eq3A_363 = vector.broadcast %eq3A_362 : i32 to vector<16xi32>
      %eq3A_364 = arith.cmpi eq, %get3A_353, %eq3A_363 : vector<16xi32>
      %select_n3A_365 = arith.select %eq3A_364, %add3A_361, %broadcast_in_dim3A_37 : vector<16xi1>, vector<16xi32>
      %max3A_366 = arith.maxsi %max3A_344, %select_n3A_365 : vector<16xi32>
      %mul3A_367 = arith.constant 16 : i32
      %mul3A_368 = arith.muli %scan3A_102, %mul3A_367 : i32
      %add3A_369 = arith.constant 12 : i32
      %add3A_370 = arith.addi %mul3A_368, %add3A_369 : i32
      %mul3A_371 = arith.constant 16 : i32
      %mul3A_372 = arith.muli %add3A_370, %mul3A_371 : i32
      %get3A_373 = arith.index_cast %mul3A_372 : i32 to index
      %get3A_374 = tpu.vector_load %arg6[%get3A_373] {strides = array<i32>} : memref<2048xi32, #tpu.memory_space<vmem>>, vector<16xi32>,
      %get3A_375 = vector.shape_cast %get3A_374 : vector<16xi32> to vector<16xi32>
      %mul3A_376 = arith.constant 16 : i32
      %mul3A_377 = arith.muli %scan3A_102, %mul3A_376 : i32
      %add3A_378 = arith.constant 12 : i32
      %add3A_379 = arith.addi %mul3A_377, %add3A_378 : i32
      %mul3A_380 = arith.constant 16 : i32
      %mul3A_381 = arith.muli %add3A_379, %mul3A_380 : i32
      %add3A_382 = vector.broadcast %mul3A_381 : i32 to vector<16xi32>
      %add3A_383 = arith.addi %add3A_36, %add3A_382 : vector<16xi32>
      %eq3A_384 = arith.constant 1 : i32
      %eq3A_385 = vector.broadcast %eq3A_384 : i32 to vector<16xi32>
      %eq3A_386 = arith.cmpi eq, %get3A_375, %eq3A_385 : vector<16xi32>
      %select_n3A_387 = arith.select %eq3A_386, %add3A_383, %broadcast_in_dim3A_37 : vector<16xi1>, vector<16xi32>
      %max3A_388 = arith.maxsi %max3A_366, %select_n3A_387 : vector<16xi32>
      %mul3A_389 = arith.constant 16 : i32
      %mul3A_390 = arith.muli %scan3A_102, %mul3A_389 : i32
      %add3A_391 = arith.constant 13 : i32
      %add3A_392 = arith.addi %mul3A_390, %add3A_391 : i32
      %mul3A_393 = arith.constant 16 : i32
      %mul3A_394 = arith.muli %add3A_392, %mul3A_393 : i32
      %get3A_395 = arith.index_cast %mul3A_394 : i32 to index
      %get3A_396 = tpu.vector_load %arg6[%get3A_395] {strides = array<i32>} : memref<2048xi32, #tpu.memory_space<vmem>>, vector<16xi32>,
      %get3A_397 = vector.shape_cast %get3A_396 : vector<16xi32> to vector<16xi32>
      %mul3A_398 = arith.constant 16 : i32
      %mul3A_399 = arith.muli %scan3A_102, %mul3A_398 : i32
      %add3A_400 = arith.constant 13 : i32
      %add3A_401 = arith.addi %mul3A_399, %add3A_400 : i32
      %mul3A_402 = arith.constant 16 : i32
      %mul3A_403 = arith.muli %add3A_401, %mul3A_402 : i32
      %add3A_404 = vector.broadcast %mul3A_403 : i32 to vector<16xi32>
      %add3A_405 = arith.addi %add3A_36, %add3A_404 : vector<16xi32>
      %eq3A_406 = arith.constant 1 : i32
      %eq3A_407 = vector.broadcast %eq3A_406 : i32 to vector<16xi32>
      %eq3A_408 = arith.cmpi eq, %get3A_397, %eq3A_407 : vector<16xi32>
      %select_n3A_409 = arith.select %eq3A_408, %add3A_405, %broadcast_in_dim3A_37 : vector<16xi1>, vector<16xi32>
      %max3A_410 = arith.maxsi %max3A_388, %select_n3A_409 : vector<16xi32>
      %mul3A_411 = arith.constant 16 : i32
      %mul3A_412 = arith.muli %scan3A_102, %mul3A_411 : i32
      %add3A_413 = arith.constant 14 : i32
      %add3A_414 = arith.addi %mul3A_412, %add3A_413 : i32
      %mul3A_415 = arith.constant 16 : i32
      %mul3A_416 = arith.muli %add3A_414, %mul3A_415 : i32
      %get3A_417 = arith.index_cast %mul3A_416 : i32 to index
      %get3A_418 = tpu.vector_load %arg6[%get3A_417] {strides = array<i32>} : memref<2048xi32, #tpu.memory_space<vmem>>, vector<16xi32>,
      %get3A_419 = vector.shape_cast %get3A_418 : vector<16xi32> to vector<16xi32>
      %mul3A_420 = arith.constant 16 : i32
      %mul3A_421 = arith.muli %scan3A_102, %mul3A_420 : i32
      %add3A_422 = arith.constant 14 : i32
      %add3A_423 = arith.addi %mul3A_421, %add3A_422 : i32
      %mul3A_424 = arith.constant 16 : i32
      %mul3A_425 = arith.muli %add3A_423, %mul3A_424 : i32
      %add3A_426 = vector.broadcast %mul3A_425 : i32 to vector<16xi32>
      %add3A_427 = arith.addi %add3A_36, %add3A_426 : vector<16xi32>
      %eq3A_428 = arith.constant 1 : i32
      %eq3A_429 = vector.broadcast %eq3A_428 : i32 to vector<16xi32>
      %eq3A_430 = arith.cmpi eq, %get3A_419, %eq3A_429 : vector<16xi32>
      %select_n3A_431 = arith.select %eq3A_430, %add3A_427, %broadcast_in_dim3A_37 : vector<16xi1>, vector<16xi32>
      %max3A_432 = arith.maxsi %max3A_410, %select_n3A_431 : vector<16xi32>
      %mul3A_433 = arith.constant 16 : i32
      %mul3A_434 = arith.muli %scan3A_102, %mul3A_433 : i32
      %add3A_435 = arith.constant 15 : i32
      %add3A_436 = arith.addi %mul3A_434, %add3A_435 : i32
      %mul3A_437 = arith.constant 16 : i32
      %mul3A_438 = arith.muli %add3A_436, %mul3A_437 : i32
      %get3A_439 = arith.index_cast %mul3A_438 : i32 to index
      %get3A_440 = tpu.vector_load %arg6[%get3A_439] {strides = array<i32>} : memref<2048xi32, #tpu.memory_space<vmem>>, vector<16xi32>,
      %get3A_441 = vector.shape_cast %get3A_440 : vector<16xi32> to vector<16xi32>
      %mul3A_442 = arith.constant 16 : i32
      %mul3A_443 = arith.muli %scan3A_102, %mul3A_442 : i32
      %add3A_444 = arith.constant 15 : i32
      %add3A_445 = arith.addi %mul3A_443, %add3A_444 : i32
      %mul3A_446 = arith.constant 16 : i32
      %mul3A_447 = arith.muli %add3A_445, %mul3A_446 : i32
      %add3A_448 = vector.broadcast %mul3A_447 : i32 to vector<16xi32>
      %add3A_449 = arith.addi %add3A_36, %add3A_448 : vector<16xi32>
      %eq3A_450 = arith.constant 1 : i32
      %eq3A_451 = vector.broadcast %eq3A_450 : i32 to vector<16xi32>
      %eq3A_452 = arith.cmpi eq, %get3A_441, %eq3A_451 : vector<16xi32>
      %select_n3A_453 = arith.select %eq3A_452, %add3A_449, %broadcast_in_dim3A_37 : vector<16xi1>, vector<16xi32>
      %max3A_454 = arith.maxsi %max3A_432, %select_n3A_453 : vector<16xi32>
      scf.yield %max3A_454 : vector<16xi32>
    }
    %scan3A_42 = arith.constant 8 : i32
    %xor3A = arith.constant 1 : i32
    %xor3A_43 = vector.broadcast %xor3A : i32 to vector<16xi32>
    %xor3A_44 = arith.xori %iota3A, %xor3A_43 : vector<16xi32>
    %lt3A_45 = arith.constant 0 : i32
    %lt3A_46 = vector.broadcast %lt3A_45 : i32 to vector<16xi32>
    %lt3A_47 = arith.cmpi slt, %xor3A_44, %lt3A_46 : vector<16xi32>
    %add3A_48 = arith.constant 16 : i32
    %add3A_49 = vector.broadcast %add3A_48 : i32 to vector<16xi32>
    %add3A_50 = arith.addi %xor3A_44, %add3A_49 : vector<16xi32>
    %select_n3A_51 = arith.select %lt3A_47, %add3A_50, %xor3A_44 : vector<16xi1>, vector<16xi32>
    %broadcast_in_dim3A_52 = vector.shape_cast %select_n3A_51 : vector<16xi32> to vector<16x1xi32>
    %gather3A = vector.shape_cast %broadcast_in_dim3A_52 : vector<16x1xi32> to vector<16xi32>
    %gather3A_53 = tpu.dynamic_gather %scan3A_41[%gather3A] in [0] : vector<16xi32>, vector<16xi32> -> vector<16xi32>
    %max3A = arith.maxsi %scan3A_41, %gather3A_53 : vector<16xi32>
    %xor3A_54 = arith.constant 2 : i32
    %xor3A_55 = vector.broadcast %xor3A_54 : i32 to vector<16xi32>
    %xor3A_56 = arith.xori %iota3A, %xor3A_55 : vector<16xi32>
    %lt3A_57 = arith.constant 0 : i32
    %lt3A_58 = vector.broadcast %lt3A_57 : i32 to vector<16xi32>
    %lt3A_59 = arith.cmpi slt, %xor3A_56, %lt3A_58 : vector<16xi32>
    %add3A_60 = arith.constant 16 : i32
    %add3A_61 = vector.broadcast %add3A_60 : i32 to vector<16xi32>
    %add3A_62 = arith.addi %xor3A_56, %add3A_61 : vector<16xi32>
    %select_n3A_63 = arith.select %lt3A_59, %add3A_62, %xor3A_56 : vector<16xi1>, vector<16xi32>
    %broadcast_in_dim3A_64 = vector.shape_cast %select_n3A_63 : vector<16xi32> to vector<16x1xi32>
    %gather3A_65 = vector.shape_cast %broadcast_in_dim3A_64 : vector<16x1xi32> to vector<16xi32>
    %gather3A_66 = tpu.dynamic_gather %max3A[%gather3A_65] in [0] : vector<16xi32>, vector<16xi32> -> vector<16xi32>
    %max3A_67 = arith.maxsi %max3A, %gather3A_66 : vector<16xi32>
    %xor3A_68 = arith.constant 4 : i32
    %xor3A_69 = vector.broadcast %xor3A_68 : i32 to vector<16xi32>
    %xor3A_70 = arith.xori %iota3A, %xor3A_69 : vector<16xi32>
    %lt3A_71 = arith.constant 0 : i32
    %lt3A_72 = vector.broadcast %lt3A_71 : i32 to vector<16xi32>
    %lt3A_73 = arith.cmpi slt, %xor3A_70, %lt3A_72 : vector<16xi32>
    %add3A_74 = arith.constant 16 : i32
    %add3A_75 = vector.broadcast %add3A_74 : i32 to vector<16xi32>
    %add3A_76 = arith.addi %xor3A_70, %add3A_75 : vector<16xi32>
    %select_n3A_77 = arith.select %lt3A_73, %add3A_76, %xor3A_70 : vector<16xi1>, vector<16xi32>
    %broadcast_in_dim3A_78 = vector.shape_cast %select_n3A_77 : vector<16xi32> to vector<16x1xi32>
    %gather3A_79 = vector.shape_cast %broadcast_in_dim3A_78 : vector<16x1xi32> to vector<16xi32>
    %gather3A_80 = tpu.dynamic_gather %max3A_67[%gather3A_79] in [0] : vector<16xi32>, vector<16xi32> -> vector<16xi32>
    %max3A_81 = arith.maxsi %max3A_67, %gather3A_80 : vector<16xi32>
    %xor3A_82 = arith.constant 8 : i32
    %xor3A_83 = vector.broadcast %xor3A_82 : i32 to vector<16xi32>
    %xor3A_84 = arith.xori %iota3A, %xor3A_83 : vector<16xi32>
    %lt3A_85 = arith.constant 0 : i32
    %lt3A_86 = vector.broadcast %lt3A_85 : i32 to vector<16xi32>
    %lt3A_87 = arith.cmpi slt, %xor3A_84, %lt3A_86 : vector<16xi32>
    %add3A_88 = arith.constant 16 : i32
    %add3A_89 = vector.broadcast %add3A_88 : i32 to vector<16xi32>
    %add3A_90 = arith.addi %xor3A_84, %add3A_89 : vector<16xi32>
    %select_n3A_91 = arith.select %lt3A_87, %add3A_90, %xor3A_84 : vector<16xi1>, vector<16xi32>
    %broadcast_in_dim3A_92 = vector.shape_cast %select_n3A_91 : vector<16xi32> to vector<16x1xi32>
    %gather3A_93 = vector.shape_cast %broadcast_in_dim3A_92 : vector<16x1xi32> to vector<16xi32>
    %gather3A_94 = tpu.dynamic_gather %max3A_81[%gather3A_93] in [0] : vector<16xi32>, vector<16xi32> -> vector<16xi32>
    %max3A_95 = arith.maxsi %max3A_81, %gather3A_94 : vector<16xi32>
    %swap3A = arith.constant 0 : index
    %swap3A_96 = tpu.vector_load %arg7[%swap3A] {strides = array<i32>} : memref<16xi32, #tpu.memory_space<vmem>>, vector<16xi32>,
    %swap3A_97 = vector.shape_cast %swap3A_96 : vector<16xi32> to vector<16xi32>
    %swap3A_98 = vector.shape_cast %max3A_95 : vector<16xi32> to vector<16xi32>
    tpu.vector_store %arg7[%swap3A], %swap3A_98 {strides = array<i32>} : memref<16xi32, #tpu.memory_space<vmem>>, vector<16xi32>,
    "tpu.region"() ({
      %run_scoped3A = tpu.sem_alloc : memref<!tpu.dma_semaphore, #tpu.memory_space<semaphore_mem>>
      %dma_start3A = arith.constant 0 : i32
      %dma_start3A_102 = tpu.memref_slice %arg5[%arg1, %dma_start3A] : memref<16x16xi32, #tpu.memory_space<vmem_shared>> -> memref<1x16xi32, #tpu.memory_space<vmem_shared>>
      %dma_start3A_103 = tpu.memref_squeeze %dma_start3A_102 : memref<1x16xi32, #tpu.memory_space<vmem_shared>> -> memref<16xi32, #tpu.memory_space<vmem_shared>>
      %dma_start3A_104 = arith.constant 0 : i32
      %dma_start3A_105 = tpu.memref_slice %arg5[%arg1, %dma_start3A_104] : memref<16x16xi32, #tpu.memory_space<vmem_shared>> -> memref<1x16xi32, #tpu.memory_space<vmem_shared>>
      %dma_start3A_106 = tpu.memref_squeeze %dma_start3A_105 : memref<1x16xi32, #tpu.memory_space<vmem_shared>> -> memref<16xi32, #tpu.memory_space<vmem_shared>>
      tpu.enqueue_dma source(%arg7 : memref<16xi32, #tpu.memory_space<vmem>>) target(%dma_start3A_106 : memref<16xi32, #tpu.memory_space<vmem_shared>>) target_semaphore(%run_scoped3A : memref<!tpu.dma_semaphore, #tpu.memory_space<semaphore_mem>>)
      %dma_wait3A = arith.constant 0 : i32
      %dma_wait3A_107 = tpu.memref_slice %arg5[%arg1, %dma_wait3A] : memref<16x16xi32, #tpu.memory_space<vmem_shared>> -> memref<1x16xi32, #tpu.memory_space<vmem_shared>>
      %dma_wait3A_108 = tpu.memref_squeeze %dma_wait3A_107 : memref<1x16xi32, #tpu.memory_space<vmem_shared>> -> memref<16xi32, #tpu.memory_space<vmem_shared>>
      %dma_wait3A_109 = arith.constant 0 : i32
      %dma_wait3A_110 = tpu.memref_slice %arg5[%arg1, %dma_wait3A_109] : memref<16x16xi32, #tpu.memory_space<vmem_shared>> -> memref<1x16xi32, #tpu.memory_space<vmem_shared>>
      %dma_wait3A_111 = tpu.memref_squeeze %dma_wait3A_110 : memref<1x16xi32, #tpu.memory_space<vmem_shared>> -> memref<16xi32, #tpu.memory_space<vmem_shared>>
      tpu.wait_dma2 semaphore(%run_scoped3A : memref<!tpu.dma_semaphore, #tpu.memory_space<semaphore_mem>>) src(%arg7 : memref<16xi32, #tpu.memory_space<vmem>>) dst(%dma_wait3A_111 : memref<16xi32, #tpu.memory_space<vmem_shared>>)
      tpu.yield
    }) : () -> ()
    %barrier3A = arith.constant 0 : index
    tpu.barrier barrier_id(%barrier3A)
    %lt3A_99 = arith.constant 4 : i32
    %lt3A_100 = arith.cmpi slt, %arg1, %lt3A_99 : i32
    %convert_element_type3A = arith.extui %lt3A_100 : i1 to i32
    %cond3A = arith.constant 0 : i32
    %cond3A_101 = arith.cmpi ne, %convert_element_type3A, %cond3A : i32
    scf.if %cond3A_101 {
      %mul3A_102 = arith.constant 4 : i32
      %mul3A_103 = arith.muli %arg1, %mul3A_102 : i32
      "tpu.region"() ({
        %run_scoped3A = tpu.sem_alloc : memref<!tpu.dma_semaphore, #tpu.memory_space<semaphore_mem>>
        %dma_start3A_149 = arith.constant 0 : i32
        %dma_start3A_150 = tpu.memref_slice %arg5[%mul3A_103, %dma_start3A_149] : memref<16x16xi32, #tpu.memory_space<vmem_shared>> -> memref<4x16xi32, #tpu.memory_space<vmem_shared>>
        %dma_start3A_151 = arith.constant 0 : i32
        %dma_start3A_152 = tpu.memref_slice %arg5[%mul3A_103, %dma_start3A_151] : memref<16x16xi32, #tpu.memory_space<vmem_shared>> -> memref<4x16xi32, #tpu.memory_space<vmem_shared>>
        tpu.enqueue_dma source(%dma_start3A_152 : memref<4x16xi32, #tpu.memory_space<vmem_shared>>) target(%arg8 : memref<4x16xi32, #tpu.memory_space<vmem>>) target_semaphore(%run_scoped3A : memref<!tpu.dma_semaphore, #tpu.memory_space<semaphore_mem>>)
        %dma_wait3A_153 = arith.constant 0 : i32
        %dma_wait3A_154 = tpu.memref_slice %arg5[%mul3A_103, %dma_wait3A_153] : memref<16x16xi32, #tpu.memory_space<vmem_shared>> -> memref<4x16xi32, #tpu.memory_space<vmem_shared>>
        %dma_wait3A_155 = arith.constant 0 : i32
        %dma_wait3A_156 = tpu.memref_slice %arg5[%mul3A_103, %dma_wait3A_155] : memref<16x16xi32, #tpu.memory_space<vmem_shared>> -> memref<4x16xi32, #tpu.memory_space<vmem_shared>>
        tpu.wait_dma2 semaphore(%run_scoped3A : memref<!tpu.dma_semaphore, #tpu.memory_space<semaphore_mem>>) src(%dma_wait3A_156 : memref<4x16xi32, #tpu.memory_space<vmem_shared>>) dst(%arg8 : memref<4x16xi32, #tpu.memory_space<vmem>>)
        tpu.yield
      }) : () -> ()
      %get3A = arith.constant 0 : i32
      %get3A_104 = arith.index_cast %get3A : i32 to index
      %get3A_105 = arith.constant 0 : index
      %get3A_106 = tpu.vector_load %arg8[%get3A_104, %get3A_105] {strides = array<i32>} : memref<4x16xi32, #tpu.memory_space<vmem>>, vector<1x16xi32>,
      %get3A_107 = vector.shape_cast %get3A_106 : vector<1x16xi32> to vector<16xi32>
      %get3A_108 = arith.constant 1 : i32
      %get3A_109 = arith.index_cast %get3A_108 : i32 to index
      %get3A_110 = arith.constant 0 : index
      %get3A_111 = tpu.vector_load %arg8[%get3A_109, %get3A_110] {strides = array<i32>} : memref<4x16xi32, #tpu.memory_space<vmem>>, vector<1x16xi32>,
      %get3A_112 = vector.shape_cast %get3A_111 : vector<1x16xi32> to vector<16xi32>
      %max3A_113 = arith.maxsi %get3A_107, %get3A_112 : vector<16xi32>
      %get3A_114 = arith.constant 2 : i32
      %get3A_115 = arith.index_cast %get3A_114 : i32 to index
      %get3A_116 = arith.constant 0 : index
      %get3A_117 = tpu.vector_load %arg8[%get3A_115, %get3A_116] {strides = array<i32>} : memref<4x16xi32, #tpu.memory_space<vmem>>, vector<1x16xi32>,
      %get3A_118 = vector.shape_cast %get3A_117 : vector<1x16xi32> to vector<16xi32>
      %max3A_119 = arith.maxsi %max3A_113, %get3A_118 : vector<16xi32>
      %get3A_120 = arith.constant 3 : i32
      %get3A_121 = arith.index_cast %get3A_120 : i32 to index
      %get3A_122 = arith.constant 0 : index
      %get3A_123 = tpu.vector_load %arg8[%get3A_121, %get3A_122] {strides = array<i32>} : memref<4x16xi32, #tpu.memory_space<vmem>>, vector<1x16xi32>,
      %get3A_124 = vector.shape_cast %get3A_123 : vector<1x16xi32> to vector<16xi32>
      %max3A_125 = arith.maxsi %max3A_119, %get3A_124 : vector<16xi32>
      %lt3A_126 = arith.constant 0 : i32
      %lt3A_127 = vector.broadcast %lt3A_126 : i32 to vector<16xi32>
      %lt3A_128 = arith.cmpi slt, %max3A_125, %lt3A_127 : vector<16xi32>
      %add3A_129 = arith.constant 8192 : i32
      %add3A_130 = vector.broadcast %add3A_129 : i32 to vector<16xi32>
      %add3A_131 = arith.addi %max3A_125, %add3A_130 : vector<16xi32>
      %select_n3A_132 = arith.select %lt3A_128, %add3A_131, %max3A_125 : vector<16xi1>, vector<16xi32>
      %mul3A_133 = arith.constant 8192 : i32
      %mul3A_134 = arith.muli %arg1, %mul3A_133 : i32
      %add3A_135 = vector.broadcast %mul3A_134 : i32 to vector<16xi32>
      %add3A_136 = arith.addi %add3A_135, %select_n3A_132 : vector<16xi32>
      %swap3A_137 = arith.constant 0 : index
      %swap3A_138 = tpu.vector_load %arg9[%swap3A_137] {strides = array<i32>} : memref<16xi32, #tpu.memory_space<vmem>>, vector<16xi32>,
      %swap3A_139 = vector.shape_cast %swap3A_138 : vector<16xi32> to vector<16xi32>
      %swap3A_140 = vector.shape_cast %add3A_136 : vector<16xi32> to vector<16xi32>
      tpu.vector_store %arg9[%swap3A_137], %swap3A_140 {strides = array<i32>} : memref<16xi32, #tpu.memory_space<vmem>>, vector<16xi32>,
      %dma_start3A = arith.constant 0 : i32
      %dma_start3A_141 = tpu.memref_slice %arg9[%dma_start3A] : memref<16xi32, #tpu.memory_space<vmem>> -> memref<1xi32, #tpu.memory_space<vmem>>
      %dma_start3A_142 = arith.constant 0 : i32
      %dma_start3A_143 = arith.constant 0 : i32
      %dma_start3A_144 = tpu.memref_slice %arg2[%dma_start3A_142, %dma_start3A_143] : memref<32768x2048xf32, #tpu.memory_space<hbm>> -> memref<32768x2048xf32, #tpu.memory_space<hbm>>
      tpu.enqueue_indirect_dma source(%dma_start3A_144 : memref<32768x2048xf32, #tpu.memory_space<hbm>>) target(%arg10 : memref<1x2048xf32, #tpu.memory_space<vmem>>) offsets(%dma_start3A_141 : memref<1xi32, #tpu.memory_space<vmem>>) semaphore(%arg11 : memref<!tpu.dma_semaphore, #tpu.memory_space<semaphore_mem>>)
      %dma_wait3A = arith.constant 0 : i32
      %dma_wait3A_145 = tpu.memref_slice %arg9[%dma_wait3A] : memref<16xi32, #tpu.memory_space<vmem>> -> memref<1xi32, #tpu.memory_space<vmem>>
      %dma_wait3A_146 = arith.constant 0 : i32
      %dma_wait3A_147 = arith.constant 0 : i32
      %dma_wait3A_148 = tpu.memref_slice %arg2[%dma_wait3A_146, %dma_wait3A_147] : memref<32768x2048xf32, #tpu.memory_space<hbm>> -> memref<32768x2048xf32, #tpu.memory_space<hbm>>
      tpu.wait_indirect_dma semaphore(%arg11 : memref<!tpu.dma_semaphore, #tpu.memory_space<semaphore_mem>>) src(%dma_wait3A_148 : memref<32768x2048xf32, #tpu.memory_space<hbm>>) dst(%arg10 : memref<1x2048xf32, #tpu.memory_space<vmem>>)
      "tpu.region"() ({
        %run_scoped3A = tpu.sem_alloc : memref<!tpu.dma_semaphore, #tpu.memory_space<semaphore_mem>>
        %dma_start3A_149 = arith.constant 0 : i32
        %dma_start3A_150 = tpu.memref_slice %arg4[%arg1, %dma_start3A_149] : memref<4x2048xf32, #tpu.memory_space<hbm>> -> memref<1x2048xf32, #tpu.memory_space<hbm>>
        %dma_start3A_151 = arith.constant 0 : i32
        %dma_start3A_152 = tpu.memref_slice %arg4[%arg1, %dma_start3A_151] : memref<4x2048xf32, #tpu.memory_space<hbm>> -> memref<1x2048xf32, #tpu.memory_space<hbm>>
        tpu.enqueue_dma source(%arg10 : memref<1x2048xf32, #tpu.memory_space<vmem>>) target(%dma_start3A_152 : memref<1x2048xf32, #tpu.memory_space<hbm>>) target_semaphore(%run_scoped3A : memref<!tpu.dma_semaphore, #tpu.memory_space<semaphore_mem>>)
        %dma_wait3A_153 = arith.constant 0 : i32
        %dma_wait3A_154 = tpu.memref_slice %arg4[%arg1, %dma_wait3A_153] : memref<4x2048xf32, #tpu.memory_space<hbm>> -> memref<1x2048xf32, #tpu.memory_space<hbm>>
        %dma_wait3A_155 = arith.constant 0 : i32
        %dma_wait3A_156 = tpu.memref_slice %arg4[%arg1, %dma_wait3A_155] : memref<4x2048xf32, #tpu.memory_space<hbm>> -> memref<1x2048xf32, #tpu.memory_space<hbm>>
        tpu.wait_dma2 semaphore(%run_scoped3A : memref<!tpu.dma_semaphore, #tpu.memory_space<semaphore_mem>>) src(%arg10 : memref<1x2048xf32, #tpu.memory_space<vmem>>) dst(%dma_wait3A_156 : memref<1x2048xf32, #tpu.memory_space<hbm>>)
        tpu.yield
      }) : () -> ()
    } else {
    }
    return
  }
}

</mosaic_0001>

<sc_bundles>
// kernel: kernel.3.cloned.1.call-start
scs
__scs_entry_jumppad:
0x0: {  	(pc) =	sbr.rel $0x88, $3  }
0x1: {  	(tag) =	ssettag $0x0;
	lr =	simm.s32 $0x1  }
0x2: {  	[smem:$0x3F9F] =	sst lr;
	_ =	strace $0xD0000000  }
0x3: {  	_ = 	snop  }
0x4: {  	_ = 	snop  }
0x5: {  	_ = 	snop  }
0x6: {  	_ = 	snop  }
0x7: {  	_ = 	snop  }
__scs_overlays_trampoline_lowered:
0x8: {  	[smem:$0x3FAE] =	sst s0  }
0x9: {  	[smem:$0x3FAF] =	sst s1  }
0xa: {  	[smem:$0x3FB0] =	sst s2  }
0xb: {  	[smem:$0x3FB1] =	sst s3  }
0xc: {  	[smem:$0x3FB2] =	sst s4  }
0xd: {  	[smem:$0x3FB3] =	sst s5  }
0xe: {  	[smem:$0x3FB4] =	sst s6  }
0xf: {  	[smem:$0x3FB5] =	sst s7  }
0x10: {  	[smem:$0x3FB6] =	sst s8  }
0x11: {  	[smem:$0x3FB7] =	sst s9;
	s0 =	simm.s32 @!p0 $0x0  }
0x12: {  	s1 =	sld [smem:$0x3F9D];
	s0 =	simm.s32 @p0 $0x1  }
0x13: {  	[smem:$0x3FB8] =	sst s0;
	s0 =	simm.s32 @!p1 $0x0  }
0x14: {  	s2 =	sld [smem:$0x3F9C];
	s0 =	simm.s32 @p1 $0x1  }
0x15: {  	[smem:$0x3FB9] =	sst s0;
	s0 =	simm.s32 @!p2 $0x0  }
0x16: {  	s3 =	sld [smem:$0x3FDB];
	s0 =	simm.s32 @p2 $0x1  }
0x17: {  	s4 =	simm.s32 $0x1BF5;
	[smem:$0x3FBB] =	sst s0  }
0x18: {  	s0 =	sld [smem:$0x3F9E];
	_ =	swait.ge [sflag:s4], $0x0  }
0x19: {  	s7 =	sld [smem:$0x3F9F]  }
0x1a: {  	s8 =	sadd.s32 $0xFFFFE003, lr  }
0x1b: {  	s9 =	sadd.s32 $0xFFFFFEF7, lr;
	s5 =	simm.s32 $0xFFFFFFFF;
	p2 =	slt.u32 s8, $0xFFFFF086  }
0x1c: {  	p1 =	slt.u32 s9, $0xF7A;
	s5 =	simm.s32 @!p2 $0x0  }
0x1d: {  	s5 =	simm.s32 @p1 $0x1;
	p0 =	seq.s32 s7, s2  }
0x1e: {  	s7 =	smul.u32 @!p0 $0xF7A, s2;
	p2 =	seq.s32 @!p0 s5, $0x0  }
0x1f: {  	s9 =	smul.u32 $0xF7A, s1;
	s8 =	simm.s32 @!p0 $0x1BF5;
	p2 =	por !p2, p0  }
0x20: {  	[sflag:s8] =	ssyncset.s32 @!p0 $0xFFFFF086;
	s6 =	sadd.s32 @!p0 s3, s7;
	s7 =	simm.s32 @!p0 $0x108  }
0x21: {  	s3 =	sadd.s32 s3, s9;
	s6 =	sadd.s32 @!p0 $0x88, s6;
	s7 =	simm.s32 @p2 $0x1082  }
0x22: {  	[simem:s7], [sflag:s8] =	dma.local @!p0 [hbm:s6], $0xF7A  }
0x23: {  	s9 =	sor.u32 $0xD0000000, s2;
	s6 =	simm.s32 $0x108;
	_ =	swait.ge @!p0 [sflag:s8], $0x0  }
0x24: {  	s3 =	sadd.s32 $0x88, s3;
	s6 =	simm.s32 @!p1 $0x1082;
	[sflag:s4] =	ssyncset.s32 $0xFFFFF086  }
0x25: {  	[simem:s6], [sflag:s4] =	dma.local [hbm:s3], $0xF7A  }
0x26: {  	[smem:$0x3F9F] =	sst s1;
	(tag) =	ssettag s2;
	_ =	strace s9  }
0x27: {  	s1 =	sld [smem:$0x3FAF]  }
0x28: {  	s2 =	sld [smem:$0x3FB0]  }
0x29: {  	s4 =	sld [smem:$0x3FB2]  }
0x2a: {  	p0 =	seq.s32 s5, $0x0;
	s5 =	sld [smem:$0x3FB3]  }
0x2b: {  	s6 =	sld [smem:$0x3FB4]  }
0x2c: {  	s7 =	sld [smem:$0x3FB5]  }
0x2d: {  	s3 =	simm.s32 $0x108;
	s8 =	sld [smem:$0x3FB6]  }
0x2e: {  	s3 =	simm.s32 @!p0 $0x1082;
	s9 =	sld [smem:$0x3FB7]  }
0x2f: {  	lr =	sadd.s32 s0, s3;
	s0 =	sld [smem:$0x3FAE]  }
0x30: {  	s3 =	sld [smem:$0x3FB1]  }
0x31: {  	[smem:$0x3FBA] =	sst s10  }
0x32: {  	s10 =	sld [smem:$0x3FB8];
	_ =	sdelay $0x3  }
0x33: {  	p0 =	seq.s32 s10, $0x1;
	s10 =	sld [smem:$0x3FBA];
	_ =	sdelay $0x3  }
0x34: {  	[smem:$0x3FBA] =	sst s10  }
0x35: {  	s10 =	sld [smem:$0x3FB9];
	_ =	sdelay $0x3  }
0x36: {  	p1 =	seq.s32 s10, $0x1;
	s10 =	sld [smem:$0x3FBA];
	_ =	sdelay $0x3  }
0x37: {  	[smem:$0x3FBA] =	sst s10  }
0x38: {  	s10 =	sld [smem:$0x3FBB]  }
0x39: {  	_ = 	snop;
	(pc) =	sbr.ind lr, $3  }
0x3a: {  	_ = 	snop  }
0x3b: {  	_ = 	snop  }
0x3c: {  	p2 =	seq.s32 s10, $0x1;
	s10 =	sld [smem:$0x3FBA]  }
0x3d: {  	_ =	shalt  }
0x3e: {  	_ =	shalt  }
0x3f: {  	_ =	shalt  }
0x40: {  	_ =	shalt  }
0x41: {  	_ =	shalt  }
0x42: {  	_ =	shalt  }
0x43: {  	_ =	shalt  }
0x44: {  	_ =	shalt  }
0x45: {  	_ =	shalt  }
0x46: {  	_ =	shalt  }
0x47: {  	_ =	shalt  }
0x48: {  	_ =	shalt  }
0x49: {  	_ =	shalt  }
0x4a: {  	_ =	shalt  }
0x4b: {  	_ =	shalt  }
0x4c: {  	_ =	shalt  }
0x4d: {  	_ =	shalt  }
0x4e: {  	_ =	shalt  }
0x4f: {  	_ =	shalt  }
0x50: {  	_ =	shalt  }
0x51: {  	_ =	shalt  }
0x52: {  	_ =	shalt  }
0x53: {  	_ =	shalt  }
0x54: {  	_ =	shalt  }
0x55: {  	_ =	shalt  }
0x56: {  	_ =	shalt  }
0x57: {  	_ =	shalt  }
0x58: {  	_ =	shalt  }
0x59: {  	_ =	shalt  }
0x5a: {  	_ =	shalt  }
0x5b: {  	_ =	shalt  }
0x5c: {  	_ =	shalt  }
0x5d: {  	_ =	shalt  }
0x5e: {  	_ =	shalt  }
0x5f: {  	_ =	shalt  }
0x60: {  	_ =	shalt  }
0x61: {  	_ =	shalt  }
0x62: {  	_ =	shalt  }
0x63: {  	_ =	shalt  }
0x64: {  	_ =	shalt  }
0x65: {  	_ =	shalt  }
0x66: {  	_ =	shalt  }
0x67: {  	_ =	shalt  }
0x68: {  	_ =	shalt  }
0x69: {  	_ =	shalt  }
0x6a: {  	_ =	shalt  }
0x6b: {  	_ =	shalt  }
0x6c: {  	_ =	shalt  }
0x6d: {  	_ =	shalt  }
0x6e: {  	_ =	shalt  }
0x6f: {  	_ =	shalt  }
0x70: {  	_ =	shalt  }
0x71: {  	_ =	shalt  }
0x72: {  	_ =	shalt  }
0x73: {  	_ =	shalt  }
0x74: {  	_ =	shalt  }
0x75: {  	_ =	shalt  }
0x76: {  	_ =	shalt  }
0x77: {  	_ =	shalt  }
0x78: {  	_ =	shalt  }
0x79: {  	_ =	shalt  }
0x7a: {  	_ =	shalt  }
0x7b: {  	_ =	shalt  }
0x7c: {  	_ =	shalt  }
0x7d: {  	_ =	shalt  }
0x7e: {  	_ =	shalt  }
0x7f: {  	_ =	shalt  }
0x80: {  	_ =	shalt  }
0x81: {  	_ =	shalt  }
0x82: {  	_ =	shalt  }
0x83: {  	_ =	shalt  }
0x84: {  	_ =	shalt  }
0x85: {  	_ =	shalt  }
0x86: {  	_ =	shalt  }
0x87: {  	_ =	shalt  }
.Lfunc_end0:
.L_simem_size_0:
called_computation_lowered:
.L_overlay_start_0:
0x88: {  	s0 =	sld [smem:$0x3FD9]  }
0x89: {  	s1 =	sld [smem:$0x3FFE];
	_ =	sdelay $0x3  }
0x8a: {  	s0 =	sadd.s32 s1, s0  }
0x8b: {  	[smem:$0x3FC6] =	sst s0  }
0x8c: {  	_ = 	snop  }
0x8d: {  	s0 =	sld [smem:$0x3FC9]  }
0x8e: {  	s16 =	sld [smem:$0x3FD0];
	(tm) =	ssettm $0x1  }
0x8f: {  	s2 =	sld [smem:$0x3FFB];
	_ =	sdelay $0x3  }
0x90: {  	_ =	strace s2  }
0x91: {  	s2 =	sld [smem:$0x3FFC];
	_ =	sdelay $0x3  }
0x92: {  	_ =	strace s2  }
0x93: {  	s2 =	sld [smem:$0x3FFD];
	_ =	sdelay $0x3  }
0x94: {  	_ =	strace s2  }
0x95: {  	_ =	strace $0x8FFFFFFF  }
0x96: {  	s17 =	sld [smem:$0x3FDB];
	_ =	sdelay $0x1  }
0x97: {  	s3 =	simm.s32 $_scs_section_size  }
0x98: {  	s4 =	simm.s32 $_size__tile_overlayer_lowered;
	s5 =	simm.s32 $_tile_overlayer_lowered  }
0x99: {  	s20 =	simm.s32 $0x1BFF;
	s19 =	sshll.u32 s5, $0x1;
	s2 =	sadd.s32 s3, s17  }
0x9a: {  	s6 =	simm.s32 $0x0;
	s18 =	sshll.u32 s4, $0x1;
	s4 =	sadd.s32 s19, s2  }
0x9b: {  	[timem:s6], [sflag:s20] =	dma.local [hbm:s4], s18  }
0x9c: {  	_ =	swait.ge [sflag:s20], s18  }
0x9d: {  	s3 =	ssub.s32 $0x0, s18;
	[sflag:s20] =	ssyncset.done $0x0  }
0x9e: {  	[sflag:s20] =	ssyncadd.s32 s3;
	_ =	sdelay $0x1  }
0x9f: {  	s21 =	simm.s32 $0x1B8B  }
0xa0: {  	_ =	swait.ge [sflag:s21], $0x1  }
0xa1: {  	[sflag:s21] =	ssyncset.done $0x0  }
0xa2: {  	s23 =	simm.s32 $0x1B8E;
	s22 =	sld [smem:$0x3FFE];
	[sflag:s21] =	ssyncadd.s32 $0xFFFFFFFF  }
0xa3: {  	s24 =	simm.s32 $execute0_lowered;
	[smem:$0x3FD2] =	sst s23  }
0xa4: {  	s4 =	sshll.u32 s24, $0x1;
	_ =	strace $0x80000046;
	[dreg:$0x1] =	wrdreg $0xFFFFFFFF  }
0xa5: {  	s25 =	simm.s32 $_size_execute0_lowered;
	s2 =	sadd.s32 s2, s4;
	[dreg:$0x0] =	wrdreg $0x0  }
0xa6: {  	s4 =	sshll.u32 s25, $0x1;
	[dreg:$0x2] =	wrdreg s2  }
0xa7: {  	[dreg:$0x3] =	wrdreg s4  }
0xa8: {  	[dreg:$0x4] =	wrdreg $0xC0  }
0xa9: {  	_ =	task [dreg:s6], $0x5FFFF  }
0xaa: {  	[dreg:$0x1] =	wrdreg $0xFFFFFFFF  }
0xab: {  	[dreg:$0x0] =	wrdreg $0x60  }
0xac: {  	[dreg:$0x2] =	wrdreg s0  }
0xad: {  	[dreg:$0x3] =	wrdreg s22  }
0xae: {  	[dreg:$0x4] =	wrdreg s16  }
0xaf: {  	[dreg:$0x5] =	wrdreg $0x0  }
0xb0: {  	[dreg:$0x6] =	wrdreg $0x9  }
0xb1: {  	_ =	task.clear_ibuf [dreg:s6], $0x7FFFF;
	_ =	strace $0x90000046  }
0xb2: {  	s26 =	simm.s32 $0x9;
	_ =	strace $0x80000048  }
0xb3: {  	_ =	swait.ge [sflag:s26], $0x1  }
0xb4: {  	[sflag:s26] =	ssyncadd.s32 $0xFFFFFFFF  }
0xb5: {  	_ =	strace $0x90000048  }
0xb6: {  	_ =	sfence  }
0xb7: {  	s28 =	sld [smem:$0x0];
	_ =	sdelay $0x1  }
0xb8: {  	s29 =	srdreg.scid  }
0xb9: {  	s30 =	sshll.u32 s29, $0xD;
	s31 =	sshrl.u32 s29, $0x2  }
0xba: {  	s1 =	sand.u32 $0x1, s29;
	s2 =	sand.u32 $0x4000, s30;
	s0 =	sadd.s32 s31, s28  }
0xbb: {  	s1 =	sor.u32 s2, s1;
	s0 =	sshll.u32 s0, $0x11  }
0xbc: {  	s0 =	sor.u32 s0, s1  }
0xbd: {  	s0 =	sadd.s32 $0x8F2B, s0  }
0xbe: {  	[sflag:s0] =	ssyncadd.remote.s32 $0x1  }
0xbf: {  	_ =	sfence.sel $0xFFFF  }
0xc0: {  	[dreg:$0x0] =	wrdreg $0xFFFFFFFF;
	(pc) =	sbr.abs _section_cstart, $3  }
0xc1: {  	[dreg:$0x1] =	wrdreg $0xFFFFFFFF  }
0xc2: {  	_ =	task.clear_ibuf [dreg:s6], $0x2FFFF;
	_ =	strace $0x9FFFFFFF  }
0xc3: {  	(tm) =	ssettm $0x7FFFFFFF  }
tec
execute0_lowered:
.L_overlay_start_1:
0x0: {  	(tag) =	ssettag $0x1  }
0x1: {  	s3 =	rddreg [dreg:$0x0]  }
0x2: {  	s5 =	rddreg [dreg:$0x1]  }
0x3: {  	s2 =	rddreg [dreg:$0x2]  }
0x4: {  	s4 =	rddreg [dreg:$0x3];
	s1 =	stileid.u32  }
0x5: {  	s0 =	rddreg [dreg:$0x4];
	s6 =	simm.s32 $0x0;
	s7 =	sshll.u32 s1, $0x8  }
0x6: {  	s13 =	simm.s32 $0x10;
	[smem:$0x7FF] =	sst s6;
	s5 =	sadd.s32 s7, s5  }
0x7: {  	s14 =	simm.s32 $0x2;
	_ =	strace $0x80000047;
	s5 =	sadd.s32 $0x400, s5  }
0x8: {  	[tilespmem:s13], [sflag:$0x2] =	stream.linear.gather [hbm4b:s5+s6], $0x800, $0x38;
	[tilespmem:$0x1310] =	vst v63  }
0x9: {  	_ =	swait.ge [sflag:s14], $0x800  }
0xa: {  	[sflag:s14] =	ssyncset.done $0x0  }
0xb: {  	s15 =	simm.s32 $0x90;
	[sflag:s14] =	ssyncadd.s32 $0xFFFFF800  }
0xc: {  	v1 =	vld [tilespmem:s15+$0xFFFFFF80];
	_ =	sdelay $0x1  }
0xd: {  	s5 =	sshll.u32 s1, $0xB;
	v2 =	vld [tilespmem:s15+$0xFFFFFF90]  }
0xe: {  	v0 =	vlaneseq.u32;
	s16 =	sand.u32 $0x1800, s5  }
0xf: {  	s17 =	simm.s32 $0x0;
	v0 =	vor.u32 s16, v0;
	v3 =	vld [tilespmem:s15+$0xFFFFFFA0]  }
0x10: {  	v4 =	vor.u32 s17, v0;
	vm0 =	veq.s32 v1, $0x1  }
0x11: {  	s18 =	simm.s32 $0x10;
	v5 =	vld [tilespmem:s15+$0xFFFFFFB0];
	v1 =	vimm.s32 $0xFFFFFFFF;
	v4 =	vnsel vm0, $0xFFFFFFFF, v4  }
0x12: {  	v6 =	vor.u32 s18, v0;
	vm1 =	veq.s32 v2, $0x1;
	vm0 =	vgt.s32 v1, v4  }
0x13: {  	s19 =	simm.s32 $0x20;
	v2 =	vnsel vm1, $0xFFFFFFFF, v6;
	v1 =	vsel vm0, v1, v4;
	v4 =	vld [tilespmem:s15+$0xFFFFFFC0]  }
0x14: {  	vm4 =	veq.s32 v3, $0x1;
	v6 =	vor.u32 s19, v0;
	vm0 =	vgt.s32 v1, v2  }
0x15: {  	s20 =	simm.s32 $0x30;
	v3 =	vld [tilespmem:s15+$0xFFFFFFD0];
	v1 =	vsel vm0, v1, v2;
	v2 =	vnsel vm4, $0xFFFFFFFF, v6  }
0x16: {  	vm5 =	veq.s32 v5, $0x1;
	v6 =	vor.u32 s20, v0;
	vm0 =	vgt.s32 v1, v2  }
0x17: {  	s21 =	simm.s32 $0x40;
	v5 =	vld [tilespmem:s15+$0xFFFFFFE0];
	v1 =	vsel vm0, v1, v2;
	v2 =	vnsel vm5, $0xFFFFFFFF, v6  }
0x18: {  	v6 =	vor.u32 s21, v0;
	vm0 =	vgt.s32 v1, v2;
	vm6 =	veq.s32 v4, $0x1  }
0x19: {  	s22 =	simm.s32 $0x50;
	v4 =	vld [tilespmem:s15+$0xFFFFFFF0];
	v1 =	vsel vm0, v1, v2;
	v2 =	vnsel vm6, $0xFFFFFFFF, v6  }
0x1a: {  	vm7 =	veq.s32 v3, $0x1;
	v6 =	vor.u32 s22, v0;
	vm0 =	vgt.s32 v1, v2  }
0x1b: {  	s23 =	simm.s32 $0x60;
	v3 =	vld [tilespmem:s15+$0x0];
	v1 =	vsel vm0, v1, v2;
	v2 =	vnsel vm7, $0xFFFFFFFF, v6  }
0x1c: {  	vm8 =	veq.s32 v5, $0x1;
	v6 =	vor.u32 s23, v0;
	vm0 =	vgt.s32 v1, v2  }
0x1d: {  	s24 =	simm.s32 $0x70;
	v5 =	vld [tilespmem:s15+$0x10];
	v1 =	vsel vm0, v1, v2;
	v2 =	vnsel vm8, $0xFFFFFFFF, v6  }
0x1e: {  	v6 =	vor.u32 s24, v0;
	vm9 =	veq.s32 v4, $0x1;
	vm0 =	vgt.s32 v1, v2  }
0x1f: {  	s25 =	simm.s32 $0x80;
	v4 =	vld [tilespmem:s15+$0x20];
	v1 =	vsel vm0, v1, v2;
	v2 =	vnsel vm9, $0xFFFFFFFF, v6  }
0x20: {  	vm10 =	veq.s32 v3, $0x1;
	v6 =	vor.u32 s25, v0;
	vm0 =	vgt.s32 v1, v2  }
0x21: {  	s26 =	simm.s32 $0x90;
	v3 =	vld [tilespmem:s15+$0x30];
	v1 =	vsel vm0, v1, v2;
	v2 =	vnsel vm10, $0xFFFFFFFF, v6  }
0x22: {  	vm11 =	veq.s32 v5, $0x1;
	v6 =	vor.u32 s26, v0;
	vm0 =	vgt.s32 v1, v2  }
0x23: {  	s28 =	simm.s32 $0xA0;
	v5 =	vld [tilespmem:s15+$0x40];
	v1 =	vsel vm0, v1, v2;
	v2 =	vnsel vm11, $0xFFFFFFFF, v6  }
0x24: {  	vm12 =	veq.s32 v4, $0x1;
	v6 =	vor.u32 s28, v0;
	vm0 =	vgt.s32 v1, v2  }
0x25: {  	s29 =	simm.s32 $0xB0;
	v4 =	vld [tilespmem:s15+$0x50];
	v1 =	vsel vm0, v1, v2;
	v2 =	vnsel vm12, $0xFFFFFFFF, v6  }
0x26: {  	vm13 =	veq.s32 v3, $0x1;
	v6 =	vor.u32 s29, v0;
	vm0 =	vgt.s32 v1, v2  }
0x27: {  	s30 =	simm.s32 $0xC0;
	v3 =	vnsel vm13, $0xFFFFFFFF, v6;
	v1 =	vsel vm0, v1, v2;
	v2 =	vld [tilespmem:s15+$0x60]  }
0x28: {  	vm14 =	veq.s32 v5, $0x1;
	v6 =	vor.u32 s30, v0;
	vm0 =	vgt.s32 v1, v3  }
0x29: {  	s31 =	simm.s32 $0xD0;
	v6 =	vnsel vm14, $0xFFFFFFFF, v6;
	v5 =	vsel vm0, v1, v3;
	v3 =	vld [tilespmem:s15+$0x70]  }
0x2a: {  	s8 =	simm.s32 $0xF0;
	s7 =	simm.s32 $0x190;
	v7 =	vor.u32 s31, v0;
	vm15 =	veq.s32 v4, $0x1;
	vm0 =	vgt.s32 v5, v6  }
0x2b: {  	s9 =	simm.s32 $0x2F0;
	s10 =	simm.s32 $0xE0;
	s6 =	simm.s32 $0x1F0;
	v1 =	vld [tilespmem:s7+$0xFFFFFF80];
	v4 =	vsel vm0, v5, v6;
	v5 =	vnsel vm15, $0xFFFFFFFF, v7  }
.LBB2_1:
0x2c: {  	p0 =	sne.s32 s9, $0x7F0;
	vm0 =	vgt.s32 v4, v5;
	v6 =	vor.u32 s10, v0;
	vm1 =	veq.s32 v2, $0x1  }
0x2d: {  	v2 =	vld [tilespmem:s7+$0xFFFFFF90];
	v4 =	vsel vm0, v4, v5;
	v5 =	vnsel vm1, $0xFFFFFFFF, v6  }
0x2e: {  	v6 =	vor.u32 s8, v0;
	s8 =	smov.u32 s6;
	s6 =	smov.u32 s9;
	vm0 =	vgt.s32 v4, v5;
	vm1 =	veq.s32 v3, $0x1  }
0x2f: {  	s10 =	sadd.s32 $0xFFFFFF10, s8;
	v3 =	vld [tilespmem:s7+$0xFFFFFFA0];
	v4 =	vsel vm0, v4, v5;
	v5 =	vnsel vm1, $0xFFFFFFFF, v6  }
0x30: {  	v6 =	vor.u32 s10, v0;
	vm0 =	veq.s32 v1, $0x1;
	vm1 =	vgt.s32 v4, v5  }
0x31: {  	s10 =	sadd.s32 $0xFFFFFF20, s8;
	v1 =	vnsel vm0, $0xFFFFFFFF, v6;
	v6 =	vld [tilespmem:s7+$0xFFFFFFB0];
	v4 =	vsel vm1, v4, v5  }
0x32: {  	v5 =	vor.u32 s10, v0;
	vm0 =	vgt.s32 v4, v1;
	vm1 =	veq.s32 v2, $0x1  }
0x33: {  	s10 =	sadd.s32 $0xFFFFFF30, s8;
	v1 =	vsel vm0, v4, v1;
	v2 =	vnsel vm1, $0xFFFFFFFF, v5;
	v4 =	vld [tilespmem:s7+$0xFFFFFFC0]  }
0x34: {  	v5 =	vor.u32 s10, v0;
	vm0 =	vgt.s32 v1, v2;
	vm1 =	veq.s32 v3, $0x1  }
0x35: {  	s10 =	sadd.s32 $0xFFFFFF40, s8;
	v1 =	vsel vm0, v1, v2;
	v2 =	vnsel vm1, $0xFFFFFFFF, v5;
	v3 =	vld [tilespmem:s7+$0xFFFFFFD0]  }
0x36: {  	v5 =	vor.u32 s10, v0;
	vm0 =	vgt.s32 v1, v2;
	vm1 =	veq.s32 v6, $0x1  }
0x37: {  	s10 =	sadd.s32 $0xFFFFFF50, s8;
	v1 =	vsel vm0, v1, v2;
	v2 =	vnsel vm1, $0xFFFFFFFF, v5;
	v5 =	vld [tilespmem:s7+$0xFFFFFFE0]  }
0x38: {  	v6 =	vor.u32 s10, v0;
	vm0 =	vgt.s32 v1, v2;
	vm1 =	veq.s32 v4, $0x1  }
0x39: {  	s10 =	sadd.s32 $0xFFFFFF60, s8;
	v1 =	vsel vm0, v1, v2;
	v2 =	vnsel vm1, $0xFFFFFFFF, v6;
	v4 =	vld [tilespmem:s7+$0xFFFFFFF0]  }
0x3a: {  	v6 =	vor.u32 s10, v0;
	vm0 =	vgt.s32 v1, v2;
	vm1 =	veq.s32 v3, $0x1  }
0x3b: {  	s10 =	sadd.s32 $0xFFFFFF70, s8;
	v1 =	vsel vm0, v1, v2;
	v2 =	vnsel vm1, $0xFFFFFFFF, v6;
	v3 =	vld [tilespmem:s7+$0x0]  }
0x3c: {  	v6 =	vor.u32 s10, v0;
	vm0 =	vgt.s32 v1, v2;
	vm1 =	veq.s32 v5, $0x1  }
0x3d: {  	s10 =	sadd.s32 $0xFFFFFF80, s8;
	v1 =	vsel vm0, v1, v2;
	v2 =	vnsel vm1, $0xFFFFFFFF, v6;
	v5 =	vld [tilespmem:s7+$0x10]  }
0x3e: {  	v6 =	vor.u32 s10, v0;
	vm0 =	vgt.s32 v1, v2;
	vm1 =	veq.s32 v4, $0x1  }
0x3f: {  	s10 =	sadd.s32 $0xFFFFFF90, s8;
	v1 =	vsel vm0, v1, v2;
	v2 =	vnsel vm1, $0xFFFFFFFF, v6;
	v4 =	vld [tilespmem:s7+$0x20]  }
0x40: {  	v6 =	vor.u32 s10, v0;
	vm0 =	vgt.s32 v1, v2;
	vm1 =	veq.s32 v3, $0x1  }
0x41: {  	s10 =	sadd.s32 $0xFFFFFFA0, s8;
	v1 =	vsel vm0, v1, v2;
	v2 =	vnsel vm1, $0xFFFFFFFF, v6;
	v3 =	vld [tilespmem:s7+$0x30]  }
0x42: {  	v6 =	vor.u32 s10, v0;
	vm0 =	vgt.s32 v1, v2;
	vm1 =	veq.s32 v5, $0x1  }
0x43: {  	s10 =	sadd.s32 $0xFFFFFFB0, s8;
	v1 =	vsel vm0, v1, v2;
	v2 =	vnsel vm1, $0xFFFFFFFF, v6;
	v5 =	vld [tilespmem:s7+$0x40]  }
0x44: {  	v6 =	vor.u32 s10, v0;
	vm0 =	vgt.s32 v1, v2;
	vm1 =	veq.s32 v4, $0x1  }
0x45: {  	s10 =	sadd.s32 $0xFFFFFFC0, s8;
	v1 =	vsel vm0, v1, v2;
	v2 =	vnsel vm1, $0xFFFFFFFF, v6;
	v4 =	vld [tilespmem:s7+$0x50]  }
0x46: {  	v6 =	vor.u32 s10, v0;
	vm0 =	vgt.s32 v1, v2;
	vm1 =	veq.s32 v3, $0x1  }
.Ltmp0:
0x47: {  	s10 =	sadd.s32 $0xFFFFFFD0, s8;
	v1 =	vsel vm0, v1, v2;
	v3 =	vnsel vm1, $0xFFFFFFFF, v6;
	v2 =	vld [tilespmem:s7+$0x60];
	(pc) =	sbr.rel @p0 .LBB2_1-.Ltmp0, $4  }
0x48: {  	v6 =	vor.u32 s10, v0;
	vm0 =	vgt.s32 v1, v3;
	vm1 =	veq.s32 v5, $0x1  }
0x49: {  	s10 =	sadd.s32 $0xFFFFFFE0, s8;
	v5 =	vsel vm0, v1, v3;
	v6 =	vnsel vm1, $0xFFFFFFFF, v6;
	v3 =	vld [tilespmem:s7+$0x70]  }
0x4a: {  	v7 =	vor.u32 s10, v0;
	s7 =	sadd.s32 $0x100, s7;
	vm0 =	vgt.s32 v5, v6;
	vm1 =	veq.s32 v4, $0x1  }
0x4b: {  	s9 =	sadd.s32 $0x100, s9;
	s10 =	sadd.s32 $0xFFFFFFF0, s8;
	v1 =	vld [tilespmem:s7+$0xFFFFFF80];
	v4 =	vsel vm0, v5, v6;
	v5 =	vnsel vm1, $0xFFFFFFFF, v7  }
0x4c: {  	vm0 =	vgt.s32 v4, v5;
	v6 =	vor.u32 s10, v0;
	vm1 =	veq.s32 v2, $0x1  }
0x4d: {  	v57 =	vld [tilespmem:s7+$0xFFFFFF90];
	v4 =	vsel vm0, v4, v5;
	v58 =	vnsel vm1, $0xFFFFFFFF, v6  }
0x4e: {  	v59 =	vor.u32 s8, v0;
	vm0 =	vgt.s32 v4, v58;
	vm11 =	veq.s32 v3, $0x1  }
0x4f: {  	s13 =	sadd.s32 $0xFFFFFF10, s6;
	v60 =	vld [tilespmem:s7+$0xFFFFFFA0];
	v4 =	vsel vm0, v4, v58;
	v61 =	vnsel vm11, $0xFFFFFFFF, v59  }
0x50: {  	v62 =	vor.u32 s13, v0;
	vm12 =	veq.s32 v1, $0x1;
	vm1 =	vgt.s32 v4, v61  }
0x51: {  	s14 =	sadd.s32 $0xFFFFFF20, s6;
	v63 =	vld [tilespmem:s7+$0xFFFFFFB0];
	v1 =	vnsel vm12, $0xFFFFFFFF, v62;
	v4 =	vsel vm1, v4, v61  }
0x52: {  	v8 =	vor.u32 s14, v0;
	vm13 =	veq.s32 v57, $0x1;
	vm0 =	vgt.s32 v4, v1  }
0x53: {  	s15 =	sadd.s32 $0xFFFFFF30, s6;
	v9 =	vld [tilespmem:s7+$0xFFFFFFC0];
	v2 =	vnsel vm13, $0xFFFFFFFF, v8;
	v1 =	vsel vm0, v4, v1  }
0x54: {  	v10 =	vor.u32 s15, v0;
	vm14 =	veq.s32 v60, $0x1;
	vm0 =	vgt.s32 v1, v2  }
0x55: {  	s16 =	sadd.s32 $0xFFFFFF40, s6;
	v12 =	vld [tilespmem:s7+$0xFFFFFFD0];
	v11 =	vnsel vm14, $0xFFFFFFFF, v10;
	v1 =	vsel vm0, v1, v2  }
0x56: {  	v13 =	vor.u32 s16, v0;
	vm15 =	veq.s32 v63, $0x1;
	vm0 =	vgt.s32 v1, v11  }
0x57: {  	s17 =	sadd.s32 $0xFFFFFF50, s6;
	v15 =	vld [tilespmem:s7+$0xFFFFFFE0];
	v14 =	vnsel vm15, $0xFFFFFFFF, v13;
	v1 =	vsel vm0, v1, v11  }
0x58: {  	v16 =	vor.u32 s17, v0;
	vm4 =	veq.s32 v9, $0x1;
	vm0 =	vgt.s32 v1, v14  }
0x59: {  	s18 =	sadd.s32 $0xFFFFFF60, s6;
	v18 =	vld [tilespmem:s7+$0xFFFFFFF0];
	v17 =	vnsel vm4, $0xFFFFFFFF, v16;
	v1 =	vsel vm0, v1, v14  }
0x5a: {  	v19 =	vor.u32 s18, v0;
	vm5 =	veq.s32 v12, $0x1;
	vm0 =	vgt.s32 v1, v17  }
0x5b: {  	s19 =	sadd.s32 $0xFFFFFF70, s6;
	v21 =	vld [tilespmem:s7+$0x0];
	v20 =	vnsel vm5, $0xFFFFFFFF, v19;
	v1 =	vsel vm0, v1, v17  }
0x5c: {  	v22 =	vor.u32 s19, v0;
	vm6 =	veq.s32 v15, $0x1;
	vm0 =	vgt.s32 v1, v20  }
0x5d: {  	s20 =	sadd.s32 $0xFFFFFF80, s6;
	v24 =	vld [tilespmem:s7+$0x10];
	v23 =	vnsel vm6, $0xFFFFFFFF, v22;
	v1 =	vsel vm0, v1, v20  }
0x5e: {  	v25 =	vor.u32 s20, v0;
	vm7 =	veq.s32 v18, $0x1;
	vm0 =	vgt.s32 v1, v23  }
0x5f: {  	s21 =	sadd.s32 $0xFFFFFF90, s6;
	v27 =	vld [tilespmem:s7+$0x20];
	v47 =	vimm.s32 $0xEFCDAB89;
	v26 =	vnsel vm7, $0xFFFFFFFF, v25;
	v1 =	vsel vm0, v1, v23  }
0x60: {  	v28 =	vor.u32 s21, v0;
	vm8 =	veq.s32 v21, $0x1;
	vm0 =	vgt.s32 v1, v26  }
0x61: {  	s22 =	sadd.s32 $0xFFFFFFA0, s6;
	v30 =	vld [tilespmem:s7+$0x30];
	v48 =	vimm.s32 $0x67452301;
	v29 =	vnsel vm8, $0xFFFFFFFF, v28;
	v1 =	vsel vm0, v1, v26  }
0x62: {  	v31 =	vor.u32 s22, v0;
	vm9 =	veq.s32 v24, $0x1;
	vm0 =	vgt.s32 v1, v29  }
0x63: {  	s23 =	sadd.s32 $0xFFFFFFB0, s6;
	v33 =	vld [tilespmem:s7+$0x40];
	v49 =	vor.u32 s6, v0;
	v32 =	vnsel vm9, $0xFFFFFFFF, v31;
	v1 =	vsel vm0, v1, v29  }
0x64: {  	v34 =	vor.u32 s23, v0;
	vm10 =	veq.s32 v27, $0x1;
	vm0 =	vgt.s32 v1, v32  }
0x65: {  	s24 =	sadd.s32 $0xFFFFFFC0, s6;
	v36 =	vld [tilespmem:s7+$0x50];
	v52 =	vimm.s32 $0xDCFE98BA;
	v35 =	vnsel vm10, $0xFFFFFFFF, v34;
	v1 =	vsel vm0, v1, v32  }
0x66: {  	v37 =	vor.u32 s24, v0;
	vm11 =	veq.s32 v30, $0x1;
	vm0 =	vgt.s32 v1, v35  }
0x67: {  	s25 =	sadd.s32 $0xFFFFFFD0, s6;
	v39 =	vld [tilespmem:s7+$0x60];
	v53 =	vimm.s32 $0x54761032;
	v38 =	vnsel vm11, $0xFFFFFFFF, v37;
	v1 =	vsel vm0, v1, v35  }
0x68: {  	s26 =	sadd.s32 $0xFFFFFFE0, s6;
	v40 =	vor.u32 s25, v0;
	vm12 =	veq.s32 v33, $0x1;
	vm0 =	vgt.s32 v1, v38  }
0x69: {  	v43 =	vld [tilespmem:s7+$0x70];
	s28 =	sadd.s32 $0xFFFFFFF0, s6;
	v42 =	vor.u32 s26, v0;
	v41 =	vnsel vm12, $0xFFFFFFFF, v40;
	v1 =	vsel vm0, v1, v38  }
0x6a: {  	v45 =	vor.u32 s28, v0;
	vm13 =	veq.s32 v36, $0x1;
	vm0 =	vgt.s32 v1, v41  }
0x6b: {  	v5 =	vunpack.c.l.s4.s8 v48;
	v44 =	vnsel vm13, $0xFFFFFFFF, v42;
	v1 =	vsel vm0, v1, v41  }
0x6c: {  	v3 =	vunpack.c.l.s4.s8 v47;
	vm14 =	veq.s32 v39, $0x1;
	vm0 =	vgt.s32 v1, v44  }
0x6d: {  	v51 =	vunpack.c.0.s8.s32 v5;
	v46 =	vnsel vm14, $0xFFFFFFFF, v45;
	v1 =	vsel vm0, v1, v44  }
0x6e: {  	v50 =	vunpack.c.0.s8.s32 v3;
	vm15 =	veq.s32 v43, $0x1;
	vm0 =	vgt.s32 v1, v46  }
0x6f: {  	v54 =	vunpack.c.l.s4.s8 v52;
	v0 =	vnsel vm15, $0xFFFFFFFF, v49;
	v1 =	vsel vm0, v1, v46  }
0x70: {  	v55 =	vunpack.c.l.s4.s8 v53;
	v2 =	vcombine.low v51, v50;
	vm0 =	vgt.s32 v1, v0  }
0x71: {  	v56 =	vimm.s32 $0xBA98FEDC;
	v0 =	vsel vm0, v1, v0  }
0x72: {  	v3 =	vunpack.c.0.s8.s32 v55;
	v1 =	vunpack.c.0.s8.s32 v54;
	v2 =	vperm.xlane v0, v2  }
0x73: {  	v58 =	vunpack.c.l.s4.s8 v56;
	v57 =	vimm.s32 $0x32107654  }
0x74: {  	v59 =	vunpack.c.l.s4.s8 v57;
	v1 =	vcombine.low v3, v1;
	vm0 =	vgt.s32 v0, v2  }
0x75: {  	v60 =	vimm.s32 $0xFEDCBA98;
	v0 =	vsel vm0, v0, v2  }
0x76: {  	v3 =	vunpack.c.0.s8.s32 v59;
	v2 =	vunpack.c.0.s8.s32 v58;
	v1 =	vperm.xlane v0, v1  }
0x77: {  	v61 =	vimm.s32 $0x76543210;
	v4 =	vunpack.c.l.s4.s8 v60  }
0x78: {  	v62 =	vunpack.c.l.s4.s8 v61;
	v2 =	vcombine.low v3, v2;
	vm0 =	vgt.s32 v0, v1  }
0x79: {  	v63 =	vunpack.c.0.s8.s32 v4;
	v0 =	vsel vm0, v0, v1  }
0x7a: {  	v3 =	vunpack.c.0.s8.s32 v62;
	v2 =	vperm.xlane v0, v2  }
0x7b: {  	v1 =	vand.u32 $0xF, v63  }
0x7c: {  	v1 =	vcombine.low v1, v3;
	vm0 =	vgt.s32 v0, v2  }
0x7d: {  	v0 =	vsel vm0, v0, v2  }
0x7e: {  	v1 =	vperm.xlane v0, v1;
	_ =	sdelay $0x1  }
0x7f: {  	vm0 =	vgt.s32 v0, v1  }
0x80: {  	s29 =	sshll.u32 s1, $0x7;
	v0 =	vsel vm0, v0, v1  }
0x81: {  	s30 =	simm.s32 $0x810;
	s31 =	simm.s32 $0x2;
	s6 =	sadd.s32 s29, s4;
	[tilespmem:$0x810] =	vst v0  }
0x82: {  	[spmem:s6] =	stream.linear.scatter [tilespmem:s30], [sflag:$0x2], $0x80, $0x38;
	[tilespmem:$0x1310] =	vst v63  }
0x83: {  	_ =	swait.ge [sflag:s31], $0x80  }
0x84: {  	p0 =	sgt.u32 s1, $0x3;
	[sflag:s31] =	ssyncset.done $0x0  }
0x85: {  	s5 =	sshrl.u32 @!p0 s5, $0x2;
	[sflag:s31] =	ssyncadd.s32 $0xFFFFFF80  }
0x86: {  	s4 =	sadd.s32 @!p0 s5, s4;
	s5 =	simm.s32 @!p0 $0x890;
	[bflag:$0x0] =	sbarrier.arrive $0xFFFF  }
0x87: {  	[tilespmem:s5], [sflag:$0x2] =	stream.linear.gather @!p0 [spmem:s4], $0x200, $0x38;
	[tilespmem:$0x1310] =	vst v63  }
0x88: {  	s4 =	simm.s32 @!p0 $0x2  }
0x89: {  	_ =	swait.ge @!p0 [sflag:s4], $0x200  }
0x8a: {  	[sflag:s4] =	ssyncset.done @!p0 $0x0  }
0x8b: {  	[sflag:s4] =	ssyncadd.s32 @!p0 $0xFFFFFE00  }
0x8c: {  	v0 =	vld @!p0 [tilespmem:$0x890]  }
0x8d: {  	v1 =	vld @!p0 [tilespmem:$0x910];
	_ =	sdelay $0x1  }
0x8e: {  	v2 =	vld @!p0 [tilespmem:$0x990];
	_ =	sdelay $0x1  }
0x8f: {  	v3 =	vld @!p0 [tilespmem:$0xA10]  }
0x90: {  	vm0 =	vgt.s32 @!p0 v0, v1  }
0x91: {  	v0 =	vsel @!p0 vm0, v0, v1  }
0x92: {  	vm0 =	vgt.s32 @!p0 v0, v2  }
0x93: {  	v0 =	vsel @!p0 vm0, v0, v2  }
0x94: {  	vm0 =	vgt.s32 @!p0 v0, v3  }
0x95: {  	v0 =	vsel @!p0 vm0, v0, v3  }
0x96: {  	s5 =	sshll.u32 @!p0 s1, $0xD;
	v1 =	vshrl.u32 @!p0 v0, $0x12  }
0x97: {  	v0 =	vadd.s32 @!p0 s5, v0;
	v1 =	vand.u32 @!p0 $0x2000, v1  }
0x98: {  	v0 =	vadd.s32 @!p0 v1, v0  }
0x99: {  	[tilespmem:$0xA90] =	vst @!p0 v0  }
0x9a: {  	v0 =	vld.msk @!p0 [tilespmem:$0xA90], $0x1;
	_ =	sdelay $0x4  }
0x9b: {  	v1 =	vshll.u32 @!p0 v0, $0x4  }
0x9c: {  	v0 =	vand.u32 @!p0 $0x7, v0;
	v1 =	vand.u32 @!p0 $0xFFFFFF80, v1  }
0x9d: {  	v2 =	vlaneseq.u32 @!p0;
	v0 =	vor.u32 @!p0 v0, v1;
	v1 =	vimm.s32 @!p0 $0x0  }
0x9e: {  	v0 =	vperm.xlane @!p0 v0, v1;
	v1 =	vmul.u32 @!p0 $0x8, v2;
	_ =	sdelay $0x1  }
0x9f: {  	v0 =	vadd.s32 @!p0 v1, v0;
	_ =	sdelay $0x3  }
0xa0: {  	s6 =	simm.s32 @!p0 $0xB10;
	vm0 =	vmmov @!p0 $0xffff;
	s5 =	simm.s32 @!p0 $0x0  }
0xa1: {  	[tilespmem:s6], [sflag:$0x1] =	stream.indirect_vreg.gather @!p0 [hbm4b:s3+s5], $0x80, v0, vm0, $0xb8;
	[tilespmem:$0x1310] =	vst v63  }
0xa2: {  	s3 =	simm.s32 @!p0 $0x1  }
0xa3: {  	s5 =	sshll.u32 @!p0 s1, $0x4;
	_ =	swait.ge @!p0 [sflag:s3], $0x800  }
0xa4: {  	s2 =	sadd.s32 @!p0 s2, s5;
	[sflag:s3] =	ssyncset.done @!p0 $0x0  }
0xa5: {  	s5 =	simm.s32 @!p0 $0x200;
	[sflag:s3] =	ssyncadd.s32 @!p0 $0xFFFFF800;
	s3 =	simm.s32 @!p0 $0x80  }
0xa6: {  	[hbm4b:s2+s3] =	stream.strided.scatter @!p0 [tilespmem:s6], [sflag:$0x2], $0x800, s5, s3, $0x38;
	[tilespmem:$0x1310] =	vst v63  }
0xa7: {  	_ =	swait.ge @!p0 [sflag:s4], $0x800  }
0xa8: {  	[sflag:s4] =	ssyncset.done @!p0 $0x0  }
0xa9: {  	[sflag:s4] =	ssyncadd.s32 @!p0 $0xFFFFF800  }
0xaa: {  	_ =	sfence.sel $0x180000  }
0xab: {  	[bflag:$0x0] =	sbarrier.arrive $0xFFFF  }
0xac: {  	p0 =	sne.s32 s1, $0x0;
	_ =	strace $0x90000047  }
0xad: {  	s0 =	sadd.s32 @!p0 $0x100000, s0;
	[bflag:$0x2] =	sbarrier.arrive $0xFFFF  }
0xae: {  	[sflag:s0] =	ssyncadd.tile.s32 @!p0 $0x1;
	_ =	shalt  }
.Lfunc_end2:
_tile_overlayer_lowered:
.L_overlay_start_2:
0xaf: {  	(tag) =	ssettag $0x2  }
0xb0: {  	s0 =	rddreg [dreg:$0x0];
	s2 =	stileid.u32  }
0xb1: {  	s1 =	rddreg [dreg:$0x1];
	p0 =	sne.s32 s2, $0x0  }
0xb2: {  	s3 =	rddreg [dreg:$0x2];
	[bflag:$0x3] =	sbarrier.arrive $0xFFFF;
	s2 =	simm.s32 @!p0 $0x1C02  }
0xb3: {  	[timem:s3], [sflag:s2] =	dma.local @!p0 [hbm:s0], s1  }
0xb4: {  	s0 =	simm.s32 @!p0 $0x2  }
0xb5: {  	_ =	swait.ge @!p0 [sflag:s0], s1  }
0xb6: {  	s1 =	ssub.s32 @!p0 $0x0, s1;
	[sflag:s0] =	ssyncset.done @!p0 $0x0  }
0xb7: {  	[sflag:s0] =	ssyncadd.s32 @!p0 s1  }
0xb8: {  	[bflag:$0x3] =	sbarrier.arrive $0xFFFF  }
0xb9: {  	_ =	shalt  }

</sc_bundles>
